<compile_context>
chip_gen: v7x
topology: tpu7x:2x2x1
jax: 0.10.2.dev20260603
libtpu: 0.0.44.dev20260713+nightly
codegen_flags: <defaults>
</compile_context>

<pallas_src>
import functools

import jax
import jax.numpy as jnp
from jax import lax
from jax.experimental import pallas as pl
from jax.experimental.pallas import tpu as pltpu
from jax.experimental.pallas import tpu_sc as plsc

EMB = 32
SEQ = 2048
NPOS = 1025
HEAD = 1535
NW = 32
ROWS_PER_W = SEQ // NW
WCOLS = SEQ + ROWS_PER_W
ROW_WORDS = SEQ * EMB
CHUNK = 8 * SEQ
TT_W = EMB * NPOS
WT_OFF = TT_W
ARENA = TT_W + EMB * WCOLS


def _sc_call(table_t):
    mesh = plsc.VectorSubcoreMesh(core_axis_name="c", subcore_axis_name="s")

    @functools.partial(
        pl.kernel,
        mesh=mesh,
        out_type=jax.ShapeDtypeStruct((SEQ * ROW_WORDS,), jnp.float32),
        scratch_types=[
            pltpu.VMEM((ARENA,), jnp.float32),
            pltpu.SemaphoreType.DMA,
            pltpu.SemaphoreType.DMA,
        ],
        compiler_params=pltpu.CompilerParams(needs_layout_passes=False),
    )
    def body(tt_hbm, out_hbm, arena, sem0, sem1):
        w = lax.axis_index("s") * 2 + lax.axis_index("c")
        sems = (sem0, sem1)

        pltpu.sync_copy(tt_hbm, arena.at[pl.ds(0, TT_W)])

        u0 = 1984 - ROWS_PER_W * w
        lanes = lax.iota(jnp.int32, 16)

        @plsc.parallel_loop(0, EMB * (WCOLS // 16), step=1, unroll=4)
        def build(k):
            c = k // (WCOLS // 16)
            xv = k % (WCOLS // 16)
            lo = c * NPOS
            base = lo + u0 + 16 * xv - HEAD
            idx = jnp.clip(lanes + base, lo, lo + NPOS - 1)
            vals = plsc.load_gather(arena, [idx])
            arena[pl.ds(WT_OFF + c * WCOLS + 16 * xv, 16)] = vals

        first = w * ROWS_PER_W

        def emit_row(t, carry):
            delta = (ROWS_PER_W - 1) - t
            for tr in range(4):
                b = tr % 2

                def reclaim(b=b):
                    pltpu.make_async_copy(
                        arena.at[pl.ds(b * CHUNK, CHUNK)],
                        out_hbm.at[pl.ds(0, CHUNK)],
                        sems[b],
                    ).wait()

                if tr < 2:
                    pl.when(t > 0)(reclaim)
                else:
                    reclaim()

                @plsc.parallel_loop(0, 128, step=1, unroll=8)
                def pack(blk):
                    tc = blk // 8
                    r = blk % 8
                    src = WT_OFF + (8 * tr + r) * WCOLS + delta + 128 * tc
                    dst = b * CHUNK + blk * 128
                    for q in range(8):
                        arena[pl.ds(dst + 16 * q, 16)] = arena[
                            pl.ds(src + 16 * q, 16)
                        ]

                out_off = pl.multiple_of(
                    (first + t) * ROW_WORDS + tr * CHUNK, CHUNK
                )
                pltpu.async_copy(
                    arena.at[pl.ds(b * CHUNK, CHUNK)],
                    out_hbm.at[pl.ds(out_off, CHUNK)],
                    sems[b],
                )
            return carry

        lax.fori_loop(0, ROWS_PER_W, emit_row, 0)

        for b in range(2):
            pltpu.make_async_copy(
                arena.at[pl.ds(b * CHUNK, CHUNK)],
                out_hbm.at[pl.ds(0, CHUNK)],
                sems[b],
            ).wait()

    return body(table_t)


def kernel(seq_len_q, seq_len_k, embeddings_table):
    del seq_len_q, seq_len_k
    flat = _sc_call(embeddings_table.T.reshape(-1))
    s = flat.reshape(SEQ, 4, 16, 8, 128)
    return s.transpose(0, 2, 4, 1, 3).reshape(SEQ, SEQ, EMB)

# --- scband reference (transcript-rebuilt; emitter-appended) ---
"""Pipeline reference for scband-relative-positional-encoder-8735963480680 (READ-ONLY COPY).

The authoritative reference and input builder live on the scoring server;
editing this copy changes nothing except your own understanding.
"""

import jax, jax.numpy as jnp
import numpy as np

EMB_DIM = 32
MAX_POSITION = 512

def setup_inputs(seed: int = 0) -> dict:
    key = jax.random.key(seed)
    # xavier_uniform init for embeddings_table [2*max_position+1, emb_dim]
    n_rows = MAX_POSITION * 2 + 1
    fan_in, fan_out = n_rows, EMB_DIM
    limit = float(np.sqrt(6.0 / (fan_in + fan_out)))
    embeddings_table = jax.random.uniform(
        key, (n_rows, EMB_DIM), dtype=jnp.float32, minval=-limit, maxval=limit
    )
    return {
        "seq_len_q": 2048,
        "seq_len_k": 2048,
        "embeddings_table": embeddings_table,
    }

def reference(seq_len_q, seq_len_k, embeddings_table):
    SEQ_Q = 2048
    SEQ_K = 2048
    range_vec_q = jnp.arange(SEQ_Q)
    range_vec_k = jnp.arange(SEQ_K)
    residual_q = (jnp.asarray(seq_len_q) - SEQ_Q).astype(range_vec_q.dtype)
    residual_k = (jnp.asarray(seq_len_k) - SEQ_K).astype(range_vec_k.dtype)
    residual = residual_q + residual_k
    range_vec_q = range_vec_q + residual
    range_vec_k = range_vec_k + residual
    relative_matrix = range_vec_k[None, :] - range_vec_q[:, None]
    clipped = jnp.clip(relative_matrix, -MAX_POSITION, MAX_POSITION)
    relative_position_matrix = clipped + MAX_POSITION
    # gather: [Sq, Sk, emb_dim]
    embeddings = jnp.take(embeddings_table, relative_position_matrix, axis=0)
    return embeddings

if __name__ == "__main__":
    import jax
    _d = setup_inputs()
    print(jax.jit(kernel)(*tuple(_d.values())))

</pallas_src>

<mosaic_0001>
#map = affine_map<(d0, d1) -> (0)>
module attributes {stable_mosaic.version = 14 : i64} {
  func.func @body(%arg0: i32, %arg1: i32, %arg2: memref<32800xf32, #tpu.memory_space<hbm>>, %arg3: memref<134217728xf32, #tpu.memory_space<hbm>>, %arg4: memref<100384xf32, #tpu.memory_space<vmem>>, %arg5: memref<!tpu.dma_semaphore, #tpu.memory_space<semaphore_mem>>, %arg6: memref<!tpu.dma_semaphore, #tpu.memory_space<semaphore_mem>>) attributes {dimension_semantics = [#tpu.dimension_semantics<core_parallel>, #tpu.dimension_semantics<subcore_parallel>], iteration_bounds = array<i64: 2, 16>, scalar_prefetch = 0 : i64, scratch_operands = 3 : i64, tpu.core_type = #tpu.core_type<sc_vector_subcore>, window_params = [{transform_indices = #map}, {transform_indices = #map}]} {
    %mul3A = arith.constant 2 : i32
    %mul3A_0 = arith.muli %arg1, %mul3A : i32
    %add3A = arith.addi %mul3A_0, %arg0 : i32
    "tpu.region"() ({
      %run_scoped3A = tpu.sem_alloc : memref<!tpu.dma_semaphore, #tpu.memory_space<semaphore_mem>>
      %dma_start3A = arith.constant 0 : i32
      %dma_start3A_28 = tpu.memref_slice %arg4[%dma_start3A] : memref<100384xf32, #tpu.memory_space<vmem>> -> memref<32800xf32, #tpu.memory_space<vmem>>
      %dma_start3A_29 = arith.constant 0 : i32
      %dma_start3A_30 = tpu.memref_slice %arg4[%dma_start3A_29] : memref<100384xf32, #tpu.memory_space<vmem>> -> memref<32800xf32, #tpu.memory_space<vmem>>
      tpu.enqueue_dma source(%arg2 : memref<32800xf32, #tpu.memory_space<hbm>>) target(%dma_start3A_30 : memref<32800xf32, #tpu.memory_space<vmem>>) target_semaphore(%run_scoped3A : memref<!tpu.dma_semaphore, #tpu.memory_space<semaphore_mem>>)
      %dma_wait3A_31 = arith.constant 0 : i32
      %dma_wait3A_32 = tpu.memref_slice %arg4[%dma_wait3A_31] : memref<100384xf32, #tpu.memory_space<vmem>> -> memref<32800xf32, #tpu.memory_space<vmem>>
      %dma_wait3A_33 = arith.constant 0 : i32
      %dma_wait3A_34 = tpu.memref_slice %arg4[%dma_wait3A_33] : memref<100384xf32, #tpu.memory_space<vmem>> -> memref<32800xf32, #tpu.memory_space<vmem>>
      tpu.wait_dma2 semaphore(%run_scoped3A : memref<!tpu.dma_semaphore, #tpu.memory_space<semaphore_mem>>) src(%arg2 : memref<32800xf32, #tpu.memory_space<hbm>>) dst(%dma_wait3A_34 : memref<32800xf32, #tpu.memory_space<vmem>>)
      tpu.yield
    }) : () -> ()
    %mul3A_1 = arith.constant 64 : i32
    %mul3A_2 = arith.muli %mul3A_1, %add3A : i32
    %sub3A = arith.constant 1984 : i32
    %sub3A_3 = arith.subi %sub3A, %mul3A_2 : i32
    %iota3A = tpu.iota {dimensions = array<i32: 0>} : vector<16xi32>
    %parallel_loop3A = arith.constant 0 : i32
    %parallel_loop3A_4 = arith.constant 4224 : i32
    %parallel_loop3A_5 = arith.constant 1 : i32
    scf.for %parallel_loop3A_28 = %parallel_loop3A to %parallel_loop3A_4 step %parallel_loop3A_5  : i32 {
      %parallel_loop3A_29 = arith.constant 132 : i32
      %parallel_loop3A_30 = arith.divsi %parallel_loop3A_28, %parallel_loop3A_29 : i32
      %parallel_loop3A_31 = arith.constant 0 : i32
      %parallel_loop3A_32 = arith.cmpi sgt, %parallel_loop3A_28, %parallel_loop3A_31 : i32
      %parallel_loop3A_33 = arith.extui %parallel_loop3A_32 : i1 to i32
      %parallel_loop3A_34 = arith.constant 0 : i32
      %parallel_loop3A_35 = arith.cmpi slt, %parallel_loop3A_28, %parallel_loop3A_34 : i32
      %parallel_loop3A_36 = arith.extui %parallel_loop3A_35 : i1 to i32
      %parallel_loop3A_37 = arith.subi %parallel_loop3A_33, %parallel_loop3A_36 : i32
      %parallel_loop3A_38 = arith.constant 0 : i32
      %parallel_loop3A_39 = arith.cmpi sgt, %parallel_loop3A_29, %parallel_loop3A_38 : i32
      %parallel_loop3A_40 = arith.extui %parallel_loop3A_39 : i1 to i32
      %parallel_loop3A_41 = arith.constant 0 : i32
      %parallel_loop3A_42 = arith.cmpi slt, %parallel_loop3A_29, %parallel_loop3A_41 : i32
      %parallel_loop3A_43 = arith.extui %parallel_loop3A_42 : i1 to i32
      %parallel_loop3A_44 = arith.subi %parallel_loop3A_40, %parallel_loop3A_43 : i32
      %parallel_loop3A_45 = arith.cmpi ne, %parallel_loop3A_37, %parallel_loop3A_44 : i32
      %parallel_loop3A_46 = arith.remsi %parallel_loop3A_28, %parallel_loop3A_29 : i32
      %parallel_loop3A_47 = arith.constant 0 : i32
      %parallel_loop3A_48 = arith.cmpi ne, %parallel_loop3A_46, %parallel_loop3A_47 : i32
      %parallel_loop3A_49 = arith.andi %parallel_loop3A_45, %parallel_loop3A_48 : i1
      %parallel_loop3A_50 = arith.constant 1 : i32
      %parallel_loop3A_51 = arith.subi %parallel_loop3A_30, %parallel_loop3A_50 : i32
      %parallel_loop3A_52 = arith.select %parallel_loop3A_49, %parallel_loop3A_51, %parallel_loop3A_30 : i32
      %parallel_loop3A_53 = arith.constant 132 : i32
      %parallel_loop3A_54 = arith.constant 0 : i32
      %parallel_loop3A_55 = arith.cmpi eq, %parallel_loop3A_53, %parallel_loop3A_54 : i32
      %parallel_loop3A_56 = arith.constant 1 : i32
      %parallel_loop3A_57 = arith.select %parallel_loop3A_55, %parallel_loop3A_56, %parallel_loop3A_53 : i32
      %parallel_loop3A_58 = arith.remsi %parallel_loop3A_28, %parallel_loop3A_57 : i32
      %parallel_loop3A_59 = arith.constant 0 : i32
      %parallel_loop3A_60 = arith.cmpi ne, %parallel_loop3A_58, %parallel_loop3A_59 : i32
      %parallel_loop3A_61 = arith.constant 0 : i32
      %parallel_loop3A_62 = arith.cmpi slt, %parallel_loop3A_58, %parallel_loop3A_61 : i32
      %parallel_loop3A_63 = arith.constant 0 : i32
      %parallel_loop3A_64 = arith.cmpi slt, %parallel_loop3A_57, %parallel_loop3A_63 : i32
      %parallel_loop3A_65 = arith.xori %parallel_loop3A_62, %parallel_loop3A_64 : i1
      %parallel_loop3A_66 = arith.andi %parallel_loop3A_65, %parallel_loop3A_60 : i1
      %parallel_loop3A_67 = arith.addi %parallel_loop3A_58, %parallel_loop3A_57 : i32
      %parallel_loop3A_68 = arith.select %parallel_loop3A_66, %parallel_loop3A_67, %parallel_loop3A_58 : i32
      %parallel_loop3A_69 = arith.constant 1025 : i32
      %parallel_loop3A_70 = arith.muli %parallel_loop3A_52, %parallel_loop3A_69 : i32
      %parallel_loop3A_71 = arith.addi %parallel_loop3A_70, %sub3A_3 : i32
      %parallel_loop3A_72 = arith.constant 16 : i32
      %parallel_loop3A_73 = arith.muli %parallel_loop3A_72, %parallel_loop3A_68 : i32
      %parallel_loop3A_74 = arith.addi %parallel_loop3A_71, %parallel_loop3A_73 : i32
      %parallel_loop3A_75 = arith.constant 1535 : i32
      %parallel_loop3A_76 = arith.subi %parallel_loop3A_74, %parallel_loop3A_75 : i32
      %parallel_loop3A_77 = vector.broadcast %parallel_loop3A_76 : i32 to vector<16xi32>
      %parallel_loop3A_78 = arith.addi %iota3A, %parallel_loop3A_77 : vector<16xi32>
      %parallel_loop3A_79 = arith.constant 1025 : i32
      %parallel_loop3A_80 = arith.addi %parallel_loop3A_70, %parallel_loop3A_79 : i32
      %parallel_loop3A_81 = arith.constant 1 : i32
      %parallel_loop3A_82 = arith.subi %parallel_loop3A_80, %parallel_loop3A_81 : i32
      %parallel_loop3A_83 = vector.broadcast %parallel_loop3A_70 : i32 to vector<16xi32>
      %parallel_loop3A_84 = arith.maxsi %parallel_loop3A_83, %parallel_loop3A_78 : vector<16xi32>
      %parallel_loop3A_85 = vector.broadcast %parallel_loop3A_82 : i32 to vector<16xi32>
      %parallel_loop3A_86 = arith.minsi %parallel_loop3A_85, %parallel_loop3A_84 : vector<16xi32>
      %parallel_loop3A_87 = tpu.vector_load_idx %arg4[%parallel_loop3A_86] : memref<100384xf32, #tpu.memory_space<vmem>>[vector<16xi32>], vector<16xf32>,
      %parallel_loop3A_88 = arith.constant 2112 : i32
      %parallel_loop3A_89 = arith.muli %parallel_loop3A_52, %parallel_loop3A_88 : i32
      %parallel_loop3A_90 = arith.constant 32800 : i32
      %parallel_loop3A_91 = arith.addi %parallel_loop3A_90, %parallel_loop3A_89 : i32
      %parallel_loop3A_92 = arith.constant 16 : i32
      %parallel_loop3A_93 = arith.muli %parallel_loop3A_92, %parallel_loop3A_68 : i32
      %parallel_loop3A_94 = arith.addi %parallel_loop3A_91, %parallel_loop3A_93 : i32
      %parallel_loop3A_95 = arith.index_cast %parallel_loop3A_94 : i32 to index
      %parallel_loop3A_96 = tpu.vector_load %arg4[%parallel_loop3A_95] {strides = array<i32>} : memref<100384xf32, #tpu.memory_space<vmem>>, vector<16xf32>,
      tpu.vector_store %arg4[%parallel_loop3A_95], %parallel_loop3A_87 {strides = array<i32>} : memref<100384xf32, #tpu.memory_space<vmem>>, vector<16xf32>,
    } {sc.loop_unroll_factor = 4 : i64, sc.parallel_access}
    %mul3A_6 = arith.constant 64 : i32
    %mul3A_7 = arith.muli %add3A, %mul3A_6 : i32
    %scan3A = arith.constant 0 : i32
    %scan3A_8 = arith.constant 0 : i32
    %scan3A_9 = arith.constant 64 : i32
    %scan3A_10 = arith.addi %scan3A_8, %scan3A_9 : i32
    %scan3A_11 = arith.constant 1 : i32
    scf.for %scan3A_28 = %scan3A_8 to %scan3A_10 step %scan3A_11  : i32 {
      %sub3A_29 = arith.constant 63 : i32
      %sub3A_30 = arith.subi %sub3A_29, %scan3A_28 : i32
      %gt3A = arith.constant 0 : i32
      %gt3A_31 = arith.cmpi sgt, %scan3A_28, %gt3A : i32
      %convert_element_type3A = arith.extui %gt3A_31 : i1 to i32
      %cond3A = arith.constant 0 : i32
      %cond3A_32 = arith.cmpi ne, %convert_element_type3A, %cond3A : i32
      scf.if %cond3A_32 {
        %dma_wait3A_112 = arith.constant 0 : i32
        %dma_wait3A_113 = tpu.memref_slice %arg4[%dma_wait3A_112] : memref<100384xf32, #tpu.memory_space<vmem>> -> memref<16384xf32, #tpu.memory_space<vmem>>
        %dma_wait3A_114 = arith.constant 0 : i32
        %dma_wait3A_115 = tpu.memref_slice %arg3[%dma_wait3A_114] : memref<134217728xf32, #tpu.memory_space<hbm>> -> memref<16384xf32, #tpu.memory_space<hbm>>
        %dma_wait3A_116 = arith.constant 0 : i32
        %dma_wait3A_117 = tpu.memref_slice %arg3[%dma_wait3A_116] : memref<134217728xf32, #tpu.memory_space<hbm>> -> memref<16384xf32, #tpu.memory_space<hbm>>
        %dma_wait3A_118 = arith.constant 0 : i32
        %dma_wait3A_119 = tpu.memref_slice %arg4[%dma_wait3A_118] : memref<100384xf32, #tpu.memory_space<vmem>> -> memref<16384xf32, #tpu.memory_space<vmem>>
        tpu.wait_dma2 semaphore(%arg5 : memref<!tpu.dma_semaphore, #tpu.memory_space<semaphore_mem>>) src(%dma_wait3A_119 : memref<16384xf32, #tpu.memory_space<vmem>>) dst(%dma_wait3A_117 : memref<16384xf32, #tpu.memory_space<hbm>>)
      } else {
      }
      %parallel_loop3A_33 = arith.constant 0 : i32
      %parallel_loop3A_34 = arith.constant 128 : i32
      %parallel_loop3A_35 = arith.constant 1 : i32
      scf.for %parallel_loop3A_112 = %parallel_loop3A_33 to %parallel_loop3A_34 step %parallel_loop3A_35  : i32 {
        %parallel_loop3A_113 = arith.constant 8 : i32
        %parallel_loop3A_114 = arith.divsi %parallel_loop3A_112, %parallel_loop3A_113 : i32
        %parallel_loop3A_115 = arith.constant 0 : i32
        %parallel_loop3A_116 = arith.cmpi sgt, %parallel_loop3A_112, %parallel_loop3A_115 : i32
        %parallel_loop3A_117 = arith.extui %parallel_loop3A_116 : i1 to i32
        %parallel_loop3A_118 = arith.constant 0 : i32
        %parallel_loop3A_119 = arith.cmpi slt, %parallel_loop3A_112, %parallel_loop3A_118 : i32
        %parallel_loop3A_120 = arith.extui %parallel_loop3A_119 : i1 to i32
        %parallel_loop3A_121 = arith.subi %parallel_loop3A_117, %parallel_loop3A_120 : i32
        %parallel_loop3A_122 = arith.constant 0 : i32
        %parallel_loop3A_123 = arith.cmpi sgt, %parallel_loop3A_113, %parallel_loop3A_122 : i32
        %parallel_loop3A_124 = arith.extui %parallel_loop3A_123 : i1 to i32
        %parallel_loop3A_125 = arith.constant 0 : i32
        %parallel_loop3A_126 = arith.cmpi slt, %parallel_loop3A_113, %parallel_loop3A_125 : i32
        %parallel_loop3A_127 = arith.extui %parallel_loop3A_126 : i1 to i32
        %parallel_loop3A_128 = arith.subi %parallel_loop3A_124, %parallel_loop3A_127 : i32
        %parallel_loop3A_129 = arith.cmpi ne, %parallel_loop3A_121, %parallel_loop3A_128 : i32
        %parallel_loop3A_130 = arith.remsi %parallel_loop3A_112, %parallel_loop3A_113 : i32
        %parallel_loop3A_131 = arith.constant 0 : i32
        %parallel_loop3A_132 = arith.cmpi ne, %parallel_loop3A_130, %parallel_loop3A_131 : i32
        %parallel_loop3A_133 = arith.andi %parallel_loop3A_129, %parallel_loop3A_132 : i1
        %parallel_loop3A_134 = arith.constant 1 : i32
        %parallel_loop3A_135 = arith.subi %parallel_loop3A_114, %parallel_loop3A_134 : i32
        %parallel_loop3A_136 = arith.select %parallel_loop3A_133, %parallel_loop3A_135, %parallel_loop3A_114 : i32
        %parallel_loop3A_137 = arith.constant 8 : i32
        %parallel_loop3A_138 = arith.constant 0 : i32
        %parallel_loop3A_139 = arith.cmpi eq, %parallel_loop3A_137, %parallel_loop3A_138 : i32
        %parallel_loop3A_140 = arith.constant 1 : i32
        %parallel_loop3A_141 = arith.select %parallel_loop3A_139, %parallel_loop3A_140, %parallel_loop3A_137 : i32
        %parallel_loop3A_142 = arith.remsi %parallel_loop3A_112, %parallel_loop3A_141 : i32
        %parallel_loop3A_143 = arith.constant 0 : i32
        %parallel_loop3A_144 = arith.cmpi ne, %parallel_loop3A_142, %parallel_loop3A_143 : i32
        %parallel_loop3A_145 = arith.constant 0 : i32
        %parallel_loop3A_146 = arith.cmpi slt, %parallel_loop3A_142, %parallel_loop3A_145 : i32
        %parallel_loop3A_147 = arith.constant 0 : i32
        %parallel_loop3A_148 = arith.cmpi slt, %parallel_loop3A_141, %parallel_loop3A_147 : i32
        %parallel_loop3A_149 = arith.xori %parallel_loop3A_146, %parallel_loop3A_148 : i1
        %parallel_loop3A_150 = arith.andi %parallel_loop3A_149, %parallel_loop3A_144 : i1
        %parallel_loop3A_151 = arith.addi %parallel_loop3A_142, %parallel_loop3A_141 : i32
        %parallel_loop3A_152 = arith.select %parallel_loop3A_150, %parallel_loop3A_151, %parallel_loop3A_142 : i32
        %parallel_loop3A_153 = arith.constant 0 : i32
        %parallel_loop3A_154 = arith.addi %parallel_loop3A_153, %parallel_loop3A_152 : i32
        %parallel_loop3A_155 = arith.constant 2112 : i32
        %parallel_loop3A_156 = arith.muli %parallel_loop3A_154, %parallel_loop3A_155 : i32
        %parallel_loop3A_157 = arith.constant 32800 : i32
        %parallel_loop3A_158 = arith.addi %parallel_loop3A_157, %parallel_loop3A_156 : i32
        %parallel_loop3A_159 = arith.addi %parallel_loop3A_158, %sub3A_30 : i32
        %parallel_loop3A_160 = arith.constant 128 : i32
        %parallel_loop3A_161 = arith.muli %parallel_loop3A_160, %parallel_loop3A_136 : i32
        %parallel_loop3A_162 = arith.addi %parallel_loop3A_159, %parallel_loop3A_161 : i32
        %parallel_loop3A_163 = arith.constant 128 : i32
        %parallel_loop3A_164 = arith.muli %parallel_loop3A_112, %parallel_loop3A_163 : i32
        %parallel_loop3A_165 = arith.constant 0 : i32
        %parallel_loop3A_166 = arith.addi %parallel_loop3A_165, %parallel_loop3A_164 : i32
        %parallel_loop3A_167 = arith.constant 0 : i32
        %parallel_loop3A_168 = arith.addi %parallel_loop3A_162, %parallel_loop3A_167 : i32
        %parallel_loop3A_169 = arith.index_cast %parallel_loop3A_168 : i32 to index
        %parallel_loop3A_170 = tpu.vector_load %arg4[%parallel_loop3A_169] {strides = array<i32>} : memref<100384xf32, #tpu.memory_space<vmem>>, vector<16xf32>,
        %parallel_loop3A_171 = arith.constant 0 : i32
        %parallel_loop3A_172 = arith.addi %parallel_loop3A_166, %parallel_loop3A_171 : i32
        %parallel_loop3A_173 = arith.index_cast %parallel_loop3A_172 : i32 to index
        %parallel_loop3A_174 = tpu.vector_load %arg4[%parallel_loop3A_173] {strides = array<i32>} : memref<100384xf32, #tpu.memory_space<vmem>>, vector<16xf32>,
        tpu.vector_store %arg4[%parallel_loop3A_173], %parallel_loop3A_170 {strides = array<i32>} : memref<100384xf32, #tpu.memory_space<vmem>>, vector<16xf32>,
        %parallel_loop3A_175 = arith.constant 16 : i32
        %parallel_loop3A_176 = arith.addi %parallel_loop3A_162, %parallel_loop3A_175 : i32
        %parallel_loop3A_177 = arith.index_cast %parallel_loop3A_176 : i32 to index
        %parallel_loop3A_178 = tpu.vector_load %arg4[%parallel_loop3A_177] {strides = array<i32>} : memref<100384xf32, #tpu.memory_space<vmem>>, vector<16xf32>,
        %parallel_loop3A_179 = arith.constant 16 : i32
        %parallel_loop3A_180 = arith.addi %parallel_loop3A_166, %parallel_loop3A_179 : i32
        %parallel_loop3A_181 = arith.index_cast %parallel_loop3A_180 : i32 to index
        %parallel_loop3A_182 = tpu.vector_load %arg4[%parallel_loop3A_181] {strides = array<i32>} : memref<100384xf32, #tpu.memory_space<vmem>>, vector<16xf32>,
        tpu.vector_store %arg4[%parallel_loop3A_181], %parallel_loop3A_178 {strides = array<i32>} : memref<100384xf32, #tpu.memory_space<vmem>>, vector<16xf32>,
        %parallel_loop3A_183 = arith.constant 32 : i32
        %parallel_loop3A_184 = arith.addi %parallel_loop3A_162, %parallel_loop3A_183 : i32
        %parallel_loop3A_185 = arith.index_cast %parallel_loop3A_184 : i32 to index
        %parallel_loop3A_186 = tpu.vector_load %arg4[%parallel_loop3A_185] {strides = array<i32>} : memref<100384xf32, #tpu.memory_space<vmem>>, vector<16xf32>,
        %parallel_loop3A_187 = arith.constant 32 : i32
        %parallel_loop3A_188 = arith.addi %parallel_loop3A_166, %parallel_loop3A_187 : i32
        %parallel_loop3A_189 = arith.index_cast %parallel_loop3A_188 : i32 to index
        %parallel_loop3A_190 = tpu.vector_load %arg4[%parallel_loop3A_189] {strides = array<i32>} : memref<100384xf32, #tpu.memory_space<vmem>>, vector<16xf32>,
        tpu.vector_store %arg4[%parallel_loop3A_189], %parallel_loop3A_186 {strides = array<i32>} : memref<100384xf32, #tpu.memory_space<vmem>>, vector<16xf32>,
        %parallel_loop3A_191 = arith.constant 48 : i32
        %parallel_loop3A_192 = arith.addi %parallel_loop3A_162, %parallel_loop3A_191 : i32
        %parallel_loop3A_193 = arith.index_cast %parallel_loop3A_192 : i32 to index
        %parallel_loop3A_194 = tpu.vector_load %arg4[%parallel_loop3A_193] {strides = array<i32>} : memref<100384xf32, #tpu.memory_space<vmem>>, vector<16xf32>,
        %parallel_loop3A_195 = arith.constant 48 : i32
        %parallel_loop3A_196 = arith.addi %parallel_loop3A_166, %parallel_loop3A_195 : i32
        %parallel_loop3A_197 = arith.index_cast %parallel_loop3A_196 : i32 to index
        %parallel_loop3A_198 = tpu.vector_load %arg4[%parallel_loop3A_197] {strides = array<i32>} : memref<100384xf32, #tpu.memory_space<vmem>>, vector<16xf32>,
        tpu.vector_store %arg4[%parallel_loop3A_197], %parallel_loop3A_194 {strides = array<i32>} : memref<100384xf32, #tpu.memory_space<vmem>>, vector<16xf32>,
        %parallel_loop3A_199 = arith.constant 64 : i32
        %parallel_loop3A_200 = arith.addi %parallel_loop3A_162, %parallel_loop3A_199 : i32
        %parallel_loop3A_201 = arith.index_cast %parallel_loop3A_200 : i32 to index
        %parallel_loop3A_202 = tpu.vector_load %arg4[%parallel_loop3A_201] {strides = array<i32>} : memref<100384xf32, #tpu.memory_space<vmem>>, vector<16xf32>,
        %parallel_loop3A_203 = arith.constant 64 : i32
        %parallel_loop3A_204 = arith.addi %parallel_loop3A_166, %parallel_loop3A_203 : i32
        %parallel_loop3A_205 = arith.index_cast %parallel_loop3A_204 : i32 to index
        %parallel_loop3A_206 = tpu.vector_load %arg4[%parallel_loop3A_205] {strides = array<i32>} : memref<100384xf32, #tpu.memory_space<vmem>>, vector<16xf32>,
        tpu.vector_store %arg4[%parallel_loop3A_205], %parallel_loop3A_202 {strides = array<i32>} : memref<100384xf32, #tpu.memory_space<vmem>>, vector<16xf32>,
        %parallel_loop3A_207 = arith.constant 80 : i32
        %parallel_loop3A_208 = arith.addi %parallel_loop3A_162, %parallel_loop3A_207 : i32
        %parallel_loop3A_209 = arith.index_cast %parallel_loop3A_208 : i32 to index
        %parallel_loop3A_210 = tpu.vector_load %arg4[%parallel_loop3A_209] {strides = array<i32>} : memref<100384xf32, #tpu.memory_space<vmem>>, vector<16xf32>,
        %parallel_loop3A_211 = arith.constant 80 : i32
        %parallel_loop3A_212 = arith.addi %parallel_loop3A_166, %parallel_loop3A_211 : i32
        %parallel_loop3A_213 = arith.index_cast %parallel_loop3A_212 : i32 to index
        %parallel_loop3A_214 = tpu.vector_load %arg4[%parallel_loop3A_213] {strides = array<i32>} : memref<100384xf32, #tpu.memory_space<vmem>>, vector<16xf32>,
        tpu.vector_store %arg4[%parallel_loop3A_213], %parallel_loop3A_210 {strides = array<i32>} : memref<100384xf32, #tpu.memory_space<vmem>>, vector<16xf32>,
        %parallel_loop3A_215 = arith.constant 96 : i32
        %parallel_loop3A_216 = arith.addi %parallel_loop3A_162, %parallel_loop3A_215 : i32
        %parallel_loop3A_217 = arith.index_cast %parallel_loop3A_216 : i32 to index
        %parallel_loop3A_218 = tpu.vector_load %arg4[%parallel_loop3A_217] {strides = array<i32>} : memref<100384xf32, #tpu.memory_space<vmem>>, vector<16xf32>,
        %parallel_loop3A_219 = arith.constant 96 : i32
        %parallel_loop3A_220 = arith.addi %parallel_loop3A_166, %parallel_loop3A_219 : i32
        %parallel_loop3A_221 = arith.index_cast %parallel_loop3A_220 : i32 to index
        %parallel_loop3A_222 = tpu.vector_load %arg4[%parallel_loop3A_221] {strides = array<i32>} : memref<100384xf32, #tpu.memory_space<vmem>>, vector<16xf32>,
        tpu.vector_store %arg4[%parallel_loop3A_221], %parallel_loop3A_218 {strides = array<i32>} : memref<100384xf32, #tpu.memory_space<vmem>>, vector<16xf32>,
        %parallel_loop3A_223 = arith.constant 112 : i32
        %parallel_loop3A_224 = arith.addi %parallel_loop3A_162, %parallel_loop3A_223 : i32
        %parallel_loop3A_225 = arith.index_cast %parallel_loop3A_224 : i32 to index
        %parallel_loop3A_226 = tpu.vector_load %arg4[%parallel_loop3A_225] {strides = array<i32>} : memref<100384xf32, #tpu.memory_space<vmem>>, vector<16xf32>,
        %parallel_loop3A_227 = arith.constant 112 : i32
        %parallel_loop3A_228 = arith.addi %parallel_loop3A_166, %parallel_loop3A_227 : i32
        %parallel_loop3A_229 = arith.index_cast %parallel_loop3A_228 : i32 to index
        %parallel_loop3A_230 = tpu.vector_load %arg4[%parallel_loop3A_229] {strides = array<i32>} : memref<100384xf32, #tpu.memory_space<vmem>>, vector<16xf32>,
        tpu.vector_store %arg4[%parallel_loop3A_229], %parallel_loop3A_226 {strides = array<i32>} : memref<100384xf32, #tpu.memory_space<vmem>>, vector<16xf32>,
      } {sc.loop_unroll_factor = 8 : i64, sc.parallel_access}
      %add3A_36 = arith.addi %mul3A_7, %scan3A_28 : i32
      %mul3A_37 = arith.constant 65536 : i32
      %mul3A_38 = arith.muli %add3A_36, %mul3A_37 : i32
      %add3A_39 = arith.constant 0 : i32
      %add3A_40 = arith.addi %mul3A_38, %add3A_39 : i32
      %multiple_of3A = tpu.assume_multiple %add3A_40, 16384 : i32
      %dma_start3A = arith.constant 0 : i32
      %dma_start3A_41 = tpu.memref_slice %arg4[%dma_start3A] : memref<100384xf32, #tpu.memory_space<vmem>> -> memref<16384xf32, #tpu.memory_space<vmem>>
      %dma_start3A_42 = tpu.memref_slice %arg3[%multiple_of3A] : memref<134217728xf32, #tpu.memory_space<hbm>> -> memref<16384xf32, #tpu.memory_space<hbm>>
      %dma_start3A_43 = tpu.memref_slice %arg3[%multiple_of3A] : memref<134217728xf32, #tpu.memory_space<hbm>> -> memref<16384xf32, #tpu.memory_space<hbm>>
      %dma_start3A_44 = arith.constant 0 : i32
      %dma_start3A_45 = tpu.memref_slice %arg4[%dma_start3A_44] : memref<100384xf32, #tpu.memory_space<vmem>> -> memref<16384xf32, #tpu.memory_space<vmem>>
      tpu.enqueue_dma source(%dma_start3A_45 : memref<16384xf32, #tpu.memory_space<vmem>>) target(%dma_start3A_43 : memref<16384xf32, #tpu.memory_space<hbm>>) target_semaphore(%arg5 : memref<!tpu.dma_semaphore, #tpu.memory_space<semaphore_mem>>)
      %gt3A_46 = arith.constant 0 : i32
      %gt3A_47 = arith.cmpi sgt, %scan3A_28, %gt3A_46 : i32
      %convert_element_type3A_48 = arith.extui %gt3A_47 : i1 to i32
      %cond3A_49 = arith.constant 0 : i32
      %cond3A_50 = arith.cmpi ne, %convert_element_type3A_48, %cond3A_49 : i32
      scf.if %cond3A_50 {
        %dma_wait3A_112 = arith.constant 16384 : i32
        %dma_wait3A_113 = tpu.memref_slice %arg4[%dma_wait3A_112] : memref<100384xf32, #tpu.memory_space<vmem>> -> memref<16384xf32, #tpu.memory_space<vmem>>
        %dma_wait3A_114 = arith.constant 0 : i32
        %dma_wait3A_115 = tpu.memref_slice %arg3[%dma_wait3A_114] : memref<134217728xf32, #tpu.memory_space<hbm>> -> memref<16384xf32, #tpu.memory_space<hbm>>
        %dma_wait3A_116 = arith.constant 0 : i32
        %dma_wait3A_117 = tpu.memref_slice %arg3[%dma_wait3A_116] : memref<134217728xf32, #tpu.memory_space<hbm>> -> memref<16384xf32, #tpu.memory_space<hbm>>
        %dma_wait3A_118 = arith.constant 16384 : i32
        %dma_wait3A_119 = tpu.memref_slice %arg4[%dma_wait3A_118] : memref<100384xf32, #tpu.memory_space<vmem>> -> memref<16384xf32, #tpu.memory_space<vmem>>
        tpu.wait_dma2 semaphore(%arg6 : memref<!tpu.dma_semaphore, #tpu.memory_space<semaphore_mem>>) src(%dma_wait3A_119 : memref<16384xf32, #tpu.memory_space<vmem>>) dst(%dma_wait3A_117 : memref<16384xf32, #tpu.memory_space<hbm>>)
      } else {
      }
      %parallel_loop3A_51 = arith.constant 0 : i32
      %parallel_loop3A_52 = arith.constant 128 : i32
      %parallel_loop3A_53 = arith.constant 1 : i32
      scf.for %parallel_loop3A_112 = %parallel_loop3A_51 to %parallel_loop3A_52 step %parallel_loop3A_53  : i32 {
        %parallel_loop3A_113 = arith.constant 8 : i32
        %parallel_loop3A_114 = arith.divsi %parallel_loop3A_112, %parallel_loop3A_113 : i32
        %parallel_loop3A_115 = arith.constant 0 : i32
        %parallel_loop3A_116 = arith.cmpi sgt, %parallel_loop3A_112, %parallel_loop3A_115 : i32
        %parallel_loop3A_117 = arith.extui %parallel_loop3A_116 : i1 to i32
        %parallel_loop3A_118 = arith.constant 0 : i32
        %parallel_loop3A_119 = arith.cmpi slt, %parallel_loop3A_112, %parallel_loop3A_118 : i32
        %parallel_loop3A_120 = arith.extui %parallel_loop3A_119 : i1 to i32
        %parallel_loop3A_121 = arith.subi %parallel_loop3A_117, %parallel_loop3A_120 : i32
        %parallel_loop3A_122 = arith.constant 0 : i32
        %parallel_loop3A_123 = arith.cmpi sgt, %parallel_loop3A_113, %parallel_loop3A_122 : i32
        %parallel_loop3A_124 = arith.extui %parallel_loop3A_123 : i1 to i32
        %parallel_loop3A_125 = arith.constant 0 : i32
        %parallel_loop3A_126 = arith.cmpi slt, %parallel_loop3A_113, %parallel_loop3A_125 : i32
        %parallel_loop3A_127 = arith.extui %parallel_loop3A_126 : i1 to i32
        %parallel_loop3A_128 = arith.subi %parallel_loop3A_124, %parallel_loop3A_127 : i32
        %parallel_loop3A_129 = arith.cmpi ne, %parallel_loop3A_121, %parallel_loop3A_128 : i32
        %parallel_loop3A_130 = arith.remsi %parallel_loop3A_112, %parallel_loop3A_113 : i32
        %parallel_loop3A_131 = arith.constant 0 : i32
        %parallel_loop3A_132 = arith.cmpi ne, %parallel_loop3A_130, %parallel_loop3A_131 : i32
        %parallel_loop3A_133 = arith.andi %parallel_loop3A_129, %parallel_loop3A_132 : i1
        %parallel_loop3A_134 = arith.constant 1 : i32
        %parallel_loop3A_135 = arith.subi %parallel_loop3A_114, %parallel_loop3A_134 : i32
        %parallel_loop3A_136 = arith.select %parallel_loop3A_133, %parallel_loop3A_135, %parallel_loop3A_114 : i32
        %parallel_loop3A_137 = arith.constant 8 : i32
        %parallel_loop3A_138 = arith.constant 0 : i32
        %parallel_loop3A_139 = arith.cmpi eq, %parallel_loop3A_137, %parallel_loop3A_138 : i32
        %parallel_loop3A_140 = arith.constant 1 : i32
        %parallel_loop3A_141 = arith.select %parallel_loop3A_139, %parallel_loop3A_140, %parallel_loop3A_137 : i32
        %parallel_loop3A_142 = arith.remsi %parallel_loop3A_112, %parallel_loop3A_141 : i32
        %parallel_loop3A_143 = arith.constant 0 : i32
        %parallel_loop3A_144 = arith.cmpi ne, %parallel_loop3A_142, %parallel_loop3A_143 : i32
        %parallel_loop3A_145 = arith.constant 0 : i32
        %parallel_loop3A_146 = arith.cmpi slt, %parallel_loop3A_142, %parallel_loop3A_145 : i32
        %parallel_loop3A_147 = arith.constant 0 : i32
        %parallel_loop3A_148 = arith.cmpi slt, %parallel_loop3A_141, %parallel_loop3A_147 : i32
        %parallel_loop3A_149 = arith.xori %parallel_loop3A_146, %parallel_loop3A_148 : i1
        %parallel_loop3A_150 = arith.andi %parallel_loop3A_149, %parallel_loop3A_144 : i1
        %parallel_loop3A_151 = arith.addi %parallel_loop3A_142, %parallel_loop3A_141 : i32
        %parallel_loop3A_152 = arith.select %parallel_loop3A_150, %parallel_loop3A_151, %parallel_loop3A_142 : i32
        %parallel_loop3A_153 = arith.constant 8 : i32
        %parallel_loop3A_154 = arith.addi %parallel_loop3A_153, %parallel_loop3A_152 : i32
        %parallel_loop3A_155 = arith.constant 2112 : i32
        %parallel_loop3A_156 = arith.muli %parallel_loop3A_154, %parallel_loop3A_155 : i32
        %parallel_loop3A_157 = arith.constant 32800 : i32
        %parallel_loop3A_158 = arith.addi %parallel_loop3A_157, %parallel_loop3A_156 : i32
        %parallel_loop3A_159 = arith.addi %parallel_loop3A_158, %sub3A_30 : i32
        %parallel_loop3A_160 = arith.constant 128 : i32
        %parallel_loop3A_161 = arith.muli %parallel_loop3A_160, %parallel_loop3A_136 : i32
        %parallel_loop3A_162 = arith.addi %parallel_loop3A_159, %parallel_loop3A_161 : i32
        %parallel_loop3A_163 = arith.constant 128 : i32
        %parallel_loop3A_164 = arith.muli %parallel_loop3A_112, %parallel_loop3A_163 : i32
        %parallel_loop3A_165 = arith.constant 16384 : i32
        %parallel_loop3A_166 = arith.addi %parallel_loop3A_165, %parallel_loop3A_164 : i32
        %parallel_loop3A_167 = arith.constant 0 : i32
        %parallel_loop3A_168 = arith.addi %parallel_loop3A_162, %parallel_loop3A_167 : i32
        %parallel_loop3A_169 = arith.index_cast %parallel_loop3A_168 : i32 to index
        %parallel_loop3A_170 = tpu.vector_load %arg4[%parallel_loop3A_169] {strides = array<i32>} : memref<100384xf32, #tpu.memory_space<vmem>>, vector<16xf32>,
        %parallel_loop3A_171 = arith.constant 0 : i32
        %parallel_loop3A_172 = arith.addi %parallel_loop3A_166, %parallel_loop3A_171 : i32
        %parallel_loop3A_173 = arith.index_cast %parallel_loop3A_172 : i32 to index
        %parallel_loop3A_174 = tpu.vector_load %arg4[%parallel_loop3A_173] {strides = array<i32>} : memref<100384xf32, #tpu.memory_space<vmem>>, vector<16xf32>,
        tpu.vector_store %arg4[%parallel_loop3A_173], %parallel_loop3A_170 {strides = array<i32>} : memref<100384xf32, #tpu.memory_space<vmem>>, vector<16xf32>,
        %parallel_loop3A_175 = arith.constant 16 : i32
        %parallel_loop3A_176 = arith.addi %parallel_loop3A_162, %parallel_loop3A_175 : i32
        %parallel_loop3A_177 = arith.index_cast %parallel_loop3A_176 : i32 to index
        %parallel_loop3A_178 = tpu.vector_load %arg4[%parallel_loop3A_177] {strides = array<i32>} : memref<100384xf32, #tpu.memory_space<vmem>>, vector<16xf32>,
        %parallel_loop3A_179 = arith.constant 16 : i32
        %parallel_loop3A_180 = arith.addi %parallel_loop3A_166, %parallel_loop3A_179 : i32
        %parallel_loop3A_181 = arith.index_cast %parallel_loop3A_180 : i32 to index
        %parallel_loop3A_182 = tpu.vector_load %arg4[%parallel_loop3A_181] {strides = array<i32>} : memref<100384xf32, #tpu.memory_space<vmem>>, vector<16xf32>,
        tpu.vector_store %arg4[%parallel_loop3A_181], %parallel_loop3A_178 {strides = array<i32>} : memref<100384xf32, #tpu.memory_space<vmem>>, vector<16xf32>,
        %parallel_loop3A_183 = arith.constant 32 : i32
        %parallel_loop3A_184 = arith.addi %parallel_loop3A_162, %parallel_loop3A_183 : i32
        %parallel_loop3A_185 = arith.index_cast %parallel_loop3A_184 : i32 to index
        %parallel_loop3A_186 = tpu.vector_load %arg4[%parallel_loop3A_185] {strides = array<i32>} : memref<100384xf32, #tpu.memory_space<vmem>>, vector<16xf32>,
        %parallel_loop3A_187 = arith.constant 32 : i32
        %parallel_loop3A_188 = arith.addi %parallel_loop3A_166, %parallel_loop3A_187 : i32
        %parallel_loop3A_189 = arith.index_cast %parallel_loop3A_188 : i32 to index
        %parallel_loop3A_190 = tpu.vector_load %arg4[%parallel_loop3A_189] {strides = array<i32>} : memref<100384xf32, #tpu.memory_space<vmem>>, vector<16xf32>,
        tpu.vector_store %arg4[%parallel_loop3A_189], %parallel_loop3A_186 {strides = array<i32>} : memref<100384xf32, #tpu.memory_space<vmem>>, vector<16xf32>,
        %parallel_loop3A_191 = arith.constant 48 : i32
        %parallel_loop3A_192 = arith.addi %parallel_loop3A_162, %parallel_loop3A_191 : i32
        %parallel_loop3A_193 = arith.index_cast %parallel_loop3A_192 : i32 to index
        %parallel_loop3A_194 = tpu.vector_load %arg4[%parallel_loop3A_193] {strides = array<i32>} : memref<100384xf32, #tpu.memory_space<vmem>>, vector<16xf32>,
        %parallel_loop3A_195 = arith.constant 48 : i32
        %parallel_loop3A_196 = arith.addi %parallel_loop3A_166, %parallel_loop3A_195 : i32
        %parallel_loop3A_197 = arith.index_cast %parallel_loop3A_196 : i32 to index
        %parallel_loop3A_198 = tpu.vector_load %arg4[%parallel_loop3A_197] {strides = array<i32>} : memref<100384xf32, #tpu.memory_space<vmem>>, vector<16xf32>,
        tpu.vector_store %arg4[%parallel_loop3A_197], %parallel_loop3A_194 {strides = array<i32>} : memref<100384xf32, #tpu.memory_space<vmem>>, vector<16xf32>,
        %parallel_loop3A_199 = arith.constant 64 : i32
        %parallel_loop3A_200 = arith.addi %parallel_loop3A_162, %parallel_loop3A_199 : i32
        %parallel_loop3A_201 = arith.index_cast %parallel_loop3A_200 : i32 to index
        %parallel_loop3A_202 = tpu.vector_load %arg4[%parallel_loop3A_201] {strides = array<i32>} : memref<100384xf32, #tpu.memory_space<vmem>>, vector<16xf32>,
        %parallel_loop3A_203 = arith.constant 64 : i32
        %parallel_loop3A_204 = arith.addi %parallel_loop3A_166, %parallel_loop3A_203 : i32
        %parallel_loop3A_205 = arith.index_cast %parallel_loop3A_204 : i32 to index
        %parallel_loop3A_206 = tpu.vector_load %arg4[%parallel_loop3A_205] {strides = array<i32>} : memref<100384xf32, #tpu.memory_space<vmem>>, vector<16xf32>,
        tpu.vector_store %arg4[%parallel_loop3A_205], %parallel_loop3A_202 {strides = array<i32>} : memref<100384xf32, #tpu.memory_space<vmem>>, vector<16xf32>,
        %parallel_loop3A_207 = arith.constant 80 : i32
        %parallel_loop3A_208 = arith.addi %parallel_loop3A_162, %parallel_loop3A_207 : i32
        %parallel_loop3A_209 = arith.index_cast %parallel_loop3A_208 : i32 to index
        %parallel_loop3A_210 = tpu.vector_load %arg4[%parallel_loop3A_209] {strides = array<i32>} : memref<100384xf32, #tpu.memory_space<vmem>>, vector<16xf32>,
        %parallel_loop3A_211 = arith.constant 80 : i32
        %parallel_loop3A_212 = arith.addi %parallel_loop3A_166, %parallel_loop3A_211 : i32
        %parallel_loop3A_213 = arith.index_cast %parallel_loop3A_212 : i32 to index
        %parallel_loop3A_214 = tpu.vector_load %arg4[%parallel_loop3A_213] {strides = array<i32>} : memref<100384xf32, #tpu.memory_space<vmem>>, vector<16xf32>,
        tpu.vector_store %arg4[%parallel_loop3A_213], %parallel_loop3A_210 {strides = array<i32>} : memref<100384xf32, #tpu.memory_space<vmem>>, vector<16xf32>,
        %parallel_loop3A_215 = arith.constant 96 : i32
        %parallel_loop3A_216 = arith.addi %parallel_loop3A_162, %parallel_loop3A_215 : i32
        %parallel_loop3A_217 = arith.index_cast %parallel_loop3A_216 : i32 to index
        %parallel_loop3A_218 = tpu.vector_load %arg4[%parallel_loop3A_217] {strides = array<i32>} : memref<100384xf32, #tpu.memory_space<vmem>>, vector<16xf32>,
        %parallel_loop3A_219 = arith.constant 96 : i32
        %parallel_loop3A_220 = arith.addi %parallel_loop3A_166, %parallel_loop3A_219 : i32
        %parallel_loop3A_221 = arith.index_cast %parallel_loop3A_220 : i32 to index
        %parallel_loop3A_222 = tpu.vector_load %arg4[%parallel_loop3A_221] {strides = array<i32>} : memref<100384xf32, #tpu.memory_space<vmem>>, vector<16xf32>,
        tpu.vector_store %arg4[%parallel_loop3A_221], %parallel_loop3A_218 {strides = array<i32>} : memref<100384xf32, #tpu.memory_space<vmem>>, vector<16xf32>,
        %parallel_loop3A_223 = arith.constant 112 : i32
        %parallel_loop3A_224 = arith.addi %parallel_loop3A_162, %parallel_loop3A_223 : i32
        %parallel_loop3A_225 = arith.index_cast %parallel_loop3A_224 : i32 to index
        %parallel_loop3A_226 = tpu.vector_load %arg4[%parallel_loop3A_225] {strides = array<i32>} : memref<100384xf32, #tpu.memory_space<vmem>>, vector<16xf32>,
        %parallel_loop3A_227 = arith.constant 112 : i32
        %parallel_loop3A_228 = arith.addi %parallel_loop3A_166, %parallel_loop3A_227 : i32
        %parallel_loop3A_229 = arith.index_cast %parallel_loop3A_228 : i32 to index
        %parallel_loop3A_230 = tpu.vector_load %arg4[%parallel_loop3A_229] {strides = array<i32>} : memref<100384xf32, #tpu.memory_space<vmem>>, vector<16xf32>,
        tpu.vector_store %arg4[%parallel_loop3A_229], %parallel_loop3A_226 {strides = array<i32>} : memref<100384xf32, #tpu.memory_space<vmem>>, vector<16xf32>,
      } {sc.loop_unroll_factor = 8 : i64, sc.parallel_access}
      %add3A_54 = arith.addi %mul3A_7, %scan3A_28 : i32
      %mul3A_55 = arith.constant 65536 : i32
      %mul3A_56 = arith.muli %add3A_54, %mul3A_55 : i32
      %add3A_57 = arith.constant 16384 : i32
      %add3A_58 = arith.addi %mul3A_56, %add3A_57 : i32
      %multiple_of3A_59 = tpu.assume_multiple %add3A_58, 16384 : i32
      %dma_start3A_60 = arith.constant 16384 : i32
      %dma_start3A_61 = tpu.memref_slice %arg4[%dma_start3A_60] : memref<100384xf32, #tpu.memory_space<vmem>> -> memref<16384xf32, #tpu.memory_space<vmem>>
      %dma_start3A_62 = tpu.memref_slice %arg3[%multiple_of3A_59] : memref<134217728xf32, #tpu.memory_space<hbm>> -> memref<16384xf32, #tpu.memory_space<hbm>>
      %dma_start3A_63 = tpu.memref_slice %arg3[%multiple_of3A_59] : memref<134217728xf32, #tpu.memory_space<hbm>> -> memref<16384xf32, #tpu.memory_space<hbm>>
      %dma_start3A_64 = arith.constant 16384 : i32
      %dma_start3A_65 = tpu.memref_slice %arg4[%dma_start3A_64] : memref<100384xf32, #tpu.memory_space<vmem>> -> memref<16384xf32, #tpu.memory_space<vmem>>
      tpu.enqueue_dma source(%dma_start3A_65 : memref<16384xf32, #tpu.memory_space<vmem>>) target(%dma_start3A_63 : memref<16384xf32, #tpu.memory_space<hbm>>) target_semaphore(%arg6 : memref<!tpu.dma_semaphore, #tpu.memory_space<semaphore_mem>>)
      %dma_wait3A_66 = arith.constant 0 : i32
      %dma_wait3A_67 = tpu.memref_slice %arg4[%dma_wait3A_66] : memref<100384xf32, #tpu.memory_space<vmem>> -> memref<16384xf32, #tpu.memory_space<vmem>>
      %dma_wait3A_68 = arith.constant 0 : i32
      %dma_wait3A_69 = tpu.memref_slice %arg3[%dma_wait3A_68] : memref<134217728xf32, #tpu.memory_space<hbm>> -> memref<16384xf32, #tpu.memory_space<hbm>>
      %dma_wait3A_70 = arith.constant 0 : i32
      %dma_wait3A_71 = tpu.memref_slice %arg3[%dma_wait3A_70] : memref<134217728xf32, #tpu.memory_space<hbm>> -> memref<16384xf32, #tpu.memory_space<hbm>>
      %dma_wait3A_72 = arith.constant 0 : i32
      %dma_wait3A_73 = tpu.memref_slice %arg4[%dma_wait3A_72] : memref<100384xf32, #tpu.memory_space<vmem>> -> memref<16384xf32, #tpu.memory_space<vmem>>
      tpu.wait_dma2 semaphore(%arg5 : memref<!tpu.dma_semaphore, #tpu.memory_space<semaphore_mem>>) src(%dma_wait3A_73 : memref<16384xf32, #tpu.memory_space<vmem>>) dst(%dma_wait3A_71 : memref<16384xf32, #tpu.memory_space<hbm>>)
      %parallel_loop3A_74 = arith.constant 0 : i32
      %parallel_loop3A_75 = arith.constant 128 : i32
      %parallel_loop3A_76 = arith.constant 1 : i32
      scf.for %parallel_loop3A_112 = %parallel_loop3A_74 to %parallel_loop3A_75 step %parallel_loop3A_76  : i32 {
        %parallel_loop3A_113 = arith.constant 8 : i32
        %parallel_loop3A_114 = arith.divsi %parallel_loop3A_112, %parallel_loop3A_113 : i32
        %parallel_loop3A_115 = arith.constant 0 : i32
        %parallel_loop3A_116 = arith.cmpi sgt, %parallel_loop3A_112, %parallel_loop3A_115 : i32
        %parallel_loop3A_117 = arith.extui %parallel_loop3A_116 : i1 to i32
        %parallel_loop3A_118 = arith.constant 0 : i32
        %parallel_loop3A_119 = arith.cmpi slt, %parallel_loop3A_112, %parallel_loop3A_118 : i32
        %parallel_loop3A_120 = arith.extui %parallel_loop3A_119 : i1 to i32
        %parallel_loop3A_121 = arith.subi %parallel_loop3A_117, %parallel_loop3A_120 : i32
        %parallel_loop3A_122 = arith.constant 0 : i32
        %parallel_loop3A_123 = arith.cmpi sgt, %parallel_loop3A_113, %parallel_loop3A_122 : i32
        %parallel_loop3A_124 = arith.extui %parallel_loop3A_123 : i1 to i32
        %parallel_loop3A_125 = arith.constant 0 : i32
        %parallel_loop3A_126 = arith.cmpi slt, %parallel_loop3A_113, %parallel_loop3A_125 : i32
        %parallel_loop3A_127 = arith.extui %parallel_loop3A_126 : i1 to i32
        %parallel_loop3A_128 = arith.subi %parallel_loop3A_124, %parallel_loop3A_127 : i32
        %parallel_loop3A_129 = arith.cmpi ne, %parallel_loop3A_121, %parallel_loop3A_128 : i32
        %parallel_loop3A_130 = arith.remsi %parallel_loop3A_112, %parallel_loop3A_113 : i32
        %parallel_loop3A_131 = arith.constant 0 : i32
        %parallel_loop3A_132 = arith.cmpi ne, %parallel_loop3A_130, %parallel_loop3A_131 : i32
        %parallel_loop3A_133 = arith.andi %parallel_loop3A_129, %parallel_loop3A_132 : i1
        %parallel_loop3A_134 = arith.constant 1 : i32
        %parallel_loop3A_135 = arith.subi %parallel_loop3A_114, %parallel_loop3A_134 : i32
        %parallel_loop3A_136 = arith.select %parallel_loop3A_133, %parallel_loop3A_135, %parallel_loop3A_114 : i32
        %parallel_loop3A_137 = arith.constant 8 : i32
        %parallel_loop3A_138 = arith.constant 0 : i32
        %parallel_loop3A_139 = arith.cmpi eq, %parallel_loop3A_137, %parallel_loop3A_138 : i32
        %parallel_loop3A_140 = arith.constant 1 : i32
        %parallel_loop3A_141 = arith.select %parallel_loop3A_139, %parallel_loop3A_140, %parallel_loop3A_137 : i32
        %parallel_loop3A_142 = arith.remsi %parallel_loop3A_112, %parallel_loop3A_141 : i32
        %parallel_loop3A_143 = arith.constant 0 : i32
        %parallel_loop3A_144 = arith.cmpi ne, %parallel_loop3A_142, %parallel_loop3A_143 : i32
        %parallel_loop3A_145 = arith.constant 0 : i32
        %parallel_loop3A_146 = arith.cmpi slt, %parallel_loop3A_142, %parallel_loop3A_145 : i32
        %parallel_loop3A_147 = arith.constant 0 : i32
        %parallel_loop3A_148 = arith.cmpi slt, %parallel_loop3A_141, %parallel_loop3A_147 : i32
        %parallel_loop3A_149 = arith.xori %parallel_loop3A_146, %parallel_loop3A_148 : i1
        %parallel_loop3A_150 = arith.andi %parallel_loop3A_149, %parallel_loop3A_144 : i1
        %parallel_loop3A_151 = arith.addi %parallel_loop3A_142, %parallel_loop3A_141 : i32
        %parallel_loop3A_152 = arith.select %parallel_loop3A_150, %parallel_loop3A_151, %parallel_loop3A_142 : i32
        %parallel_loop3A_153 = arith.constant 16 : i32
        %parallel_loop3A_154 = arith.addi %parallel_loop3A_153, %parallel_loop3A_152 : i32
        %parallel_loop3A_155 = arith.constant 2112 : i32
        %parallel_loop3A_156 = arith.muli %parallel_loop3A_154, %parallel_loop3A_155 : i32
        %parallel_loop3A_157 = arith.constant 32800 : i32
        %parallel_loop3A_158 = arith.addi %parallel_loop3A_157, %parallel_loop3A_156 : i32
        %parallel_loop3A_159 = arith.addi %parallel_loop3A_158, %sub3A_30 : i32
        %parallel_loop3A_160 = arith.constant 128 : i32
        %parallel_loop3A_161 = arith.muli %parallel_loop3A_160, %parallel_loop3A_136 : i32
        %parallel_loop3A_162 = arith.addi %parallel_loop3A_159, %parallel_loop3A_161 : i32
        %parallel_loop3A_163 = arith.constant 128 : i32
        %parallel_loop3A_164 = arith.muli %parallel_loop3A_112, %parallel_loop3A_163 : i32
        %parallel_loop3A_165 = arith.constant 0 : i32
        %parallel_loop3A_166 = arith.addi %parallel_loop3A_165, %parallel_loop3A_164 : i32
        %parallel_loop3A_167 = arith.constant 0 : i32
        %parallel_loop3A_168 = arith.addi %parallel_loop3A_162, %parallel_loop3A_167 : i32
        %parallel_loop3A_169 = arith.index_cast %parallel_loop3A_168 : i32 to index
        %parallel_loop3A_170 = tpu.vector_load %arg4[%parallel_loop3A_169] {strides = array<i32>} : memref<100384xf32, #tpu.memory_space<vmem>>, vector<16xf32>,
        %parallel_loop3A_171 = arith.constant 0 : i32
        %parallel_loop3A_172 = arith.addi %parallel_loop3A_166, %parallel_loop3A_171 : i32
        %parallel_loop3A_173 = arith.index_cast %parallel_loop3A_172 : i32 to index
        %parallel_loop3A_174 = tpu.vector_load %arg4[%parallel_loop3A_173] {strides = array<i32>} : memref<100384xf32, #tpu.memory_space<vmem>>, vector<16xf32>,
        tpu.vector_store %arg4[%parallel_loop3A_173], %parallel_loop3A_170 {strides = array<i32>} : memref<100384xf32, #tpu.memory_space<vmem>>, vector<16xf32>,
        %parallel_loop3A_175 = arith.constant 16 : i32
        %parallel_loop3A_176 = arith.addi %parallel_loop3A_162, %parallel_loop3A_175 : i32
        %parallel_loop3A_177 = arith.index_cast %parallel_loop3A_176 : i32 to index
        %parallel_loop3A_178 = tpu.vector_load %arg4[%parallel_loop3A_177] {strides = array<i32>} : memref<100384xf32, #tpu.memory_space<vmem>>, vector<16xf32>,
        %parallel_loop3A_179 = arith.constant 16 : i32
        %parallel_loop3A_180 = arith.addi %parallel_loop3A_166, %parallel_loop3A_179 : i32
        %parallel_loop3A_181 = arith.index_cast %parallel_loop3A_180 : i32 to index
        %parallel_loop3A_182 = tpu.vector_load %arg4[%parallel_loop3A_181] {strides = array<i32>} : memref<100384xf32, #tpu.memory_space<vmem>>, vector<16xf32>,
        tpu.vector_store %arg4[%parallel_loop3A_181], %parallel_loop3A_178 {strides = array<i32>} : memref<100384xf32, #tpu.memory_space<vmem>>, vector<16xf32>,
        %parallel_loop3A_183 = arith.constant 32 : i32
        %parallel_loop3A_184 = arith.addi %parallel_loop3A_162, %parallel_loop3A_183 : i32
        %parallel_loop3A_185 = arith.index_cast %parallel_loop3A_184 : i32 to index
        %parallel_loop3A_186 = tpu.vector_load %arg4[%parallel_loop3A_185] {strides = array<i32>} : memref<100384xf32, #tpu.memory_space<vmem>>, vector<16xf32>,
        %parallel_loop3A_187 = arith.constant 32 : i32
        %parallel_loop3A_188 = arith.addi %parallel_loop3A_166, %parallel_loop3A_187 : i32
        %parallel_loop3A_189 = arith.index_cast %parallel_loop3A_188 : i32 to index
        %parallel_loop3A_190 = tpu.vector_load %arg4[%parallel_loop3A_189] {strides = array<i32>} : memref<100384xf32, #tpu.memory_space<vmem>>, vector<16xf32>,
        tpu.vector_store %arg4[%parallel_loop3A_189], %parallel_loop3A_186 {strides = array<i32>} : memref<100384xf32, #tpu.memory_space<vmem>>, vector<16xf32>,
        %parallel_loop3A_191 = arith.constant 48 : i32
        %parallel_loop3A_192 = arith.addi %parallel_loop3A_162, %parallel_loop3A_191 : i32
        %parallel_loop3A_193 = arith.index_cast %parallel_loop3A_192 : i32 to index
        %parallel_loop3A_194 = tpu.vector_load %arg4[%parallel_loop3A_193] {strides = array<i32>} : memref<100384xf32, #tpu.memory_space<vmem>>, vector<16xf32>,
        %parallel_loop3A_195 = arith.constant 48 : i32
        %parallel_loop3A_196 = arith.addi %parallel_loop3A_166, %parallel_loop3A_195 : i32
        %parallel_loop3A_197 = arith.index_cast %parallel_loop3A_196 : i32 to index
        %parallel_loop3A_198 = tpu.vector_load %arg4[%parallel_loop3A_197] {strides = array<i32>} : memref<100384xf32, #tpu.memory_space<vmem>>, vector<16xf32>,
        tpu.vector_store %arg4[%parallel_loop3A_197], %parallel_loop3A_194 {strides = array<i32>} : memref<100384xf32, #tpu.memory_space<vmem>>, vector<16xf32>,
        %parallel_loop3A_199 = arith.constant 64 : i32
        %parallel_loop3A_200 = arith.addi %parallel_loop3A_162, %parallel_loop3A_199 : i32
        %parallel_loop3A_201 = arith.index_cast %parallel_loop3A_200 : i32 to index
        %parallel_loop3A_202 = tpu.vector_load %arg4[%parallel_loop3A_201] {strides = array<i32>} : memref<100384xf32, #tpu.memory_space<vmem>>, vector<16xf32>,
        %parallel_loop3A_203 = arith.constant 64 : i32
        %parallel_loop3A_204 = arith.addi %parallel_loop3A_166, %parallel_loop3A_203 : i32
        %parallel_loop3A_205 = arith.index_cast %parallel_loop3A_204 : i32 to index
        %parallel_loop3A_206 = tpu.vector_load %arg4[%parallel_loop3A_205] {strides = array<i32>} : memref<100384xf32, #tpu.memory_space<vmem>>, vector<16xf32>,
        tpu.vector_store %arg4[%parallel_loop3A_205], %parallel_loop3A_202 {strides = array<i32>} : memref<100384xf32, #tpu.memory_space<vmem>>, vector<16xf32>,
        %parallel_loop3A_207 = arith.constant 80 : i32
        %parallel_loop3A_208 = arith.addi %parallel_loop3A_162, %parallel_loop3A_207 : i32
        %parallel_loop3A_209 = arith.index_cast %parallel_loop3A_208 : i32 to index
        %parallel_loop3A_210 = tpu.vector_load %arg4[%parallel_loop3A_209] {strides = array<i32>} : memref<100384xf32, #tpu.memory_space<vmem>>, vector<16xf32>,
        %parallel_loop3A_211 = arith.constant 80 : i32
        %parallel_loop3A_212 = arith.addi %parallel_loop3A_166, %parallel_loop3A_211 : i32
        %parallel_loop3A_213 = arith.index_cast %parallel_loop3A_212 : i32 to index
        %parallel_loop3A_214 = tpu.vector_load %arg4[%parallel_loop3A_213] {strides = array<i32>} : memref<100384xf32, #tpu.memory_space<vmem>>, vector<16xf32>,
        tpu.vector_store %arg4[%parallel_loop3A_213], %parallel_loop3A_210 {strides = array<i32>} : memref<100384xf32, #tpu.memory_space<vmem>>, vector<16xf32>,
        %parallel_loop3A_215 = arith.constant 96 : i32
        %parallel_loop3A_216 = arith.addi %parallel_loop3A_162, %parallel_loop3A_215 : i32
        %parallel_loop3A_217 = arith.index_cast %parallel_loop3A_216 : i32 to index
        %parallel_loop3A_218 = tpu.vector_load %arg4[%parallel_loop3A_217] {strides = array<i32>} : memref<100384xf32, #tpu.memory_space<vmem>>, vector<16xf32>,
        %parallel_loop3A_219 = arith.constant 96 : i32
        %parallel_loop3A_220 = arith.addi %parallel_loop3A_166, %parallel_loop3A_219 : i32
        %parallel_loop3A_221 = arith.index_cast %parallel_loop3A_220 : i32 to index
        %parallel_loop3A_222 = tpu.vector_load %arg4[%parallel_loop3A_221] {strides = array<i32>} : memref<100384xf32, #tpu.memory_space<vmem>>, vector<16xf32>,
        tpu.vector_store %arg4[%parallel_loop3A_221], %parallel_loop3A_218 {strides = array<i32>} : memref<100384xf32, #tpu.memory_space<vmem>>, vector<16xf32>,
        %parallel_loop3A_223 = arith.constant 112 : i32
        %parallel_loop3A_224 = arith.addi %parallel_loop3A_162, %parallel_loop3A_223 : i32
        %parallel_loop3A_225 = arith.index_cast %parallel_loop3A_224 : i32 to index
        %parallel_loop3A_226 = tpu.vector_load %arg4[%parallel_loop3A_225] {strides = array<i32>} : memref<100384xf32, #tpu.memory_space<vmem>>, vector<16xf32>,
        %parallel_loop3A_227 = arith.constant 112 : i32
        %parallel_loop3A_228 = arith.addi %parallel_loop3A_166, %parallel_loop3A_227 : i32
        %parallel_loop3A_229 = arith.index_cast %parallel_loop3A_228 : i32 to index
        %parallel_loop3A_230 = tpu.vector_load %arg4[%parallel_loop3A_229] {strides = array<i32>} : memref<100384xf32, #tpu.memory_space<vmem>>, vector<16xf32>,
        tpu.vector_store %arg4[%parallel_loop3A_229], %parallel_loop3A_226 {strides = array<i32>} : memref<100384xf32, #tpu.memory_space<vmem>>, vector<16xf32>,
      } {sc.loop_unroll_factor = 8 : i64, sc.parallel_access}
      %add3A_77 = arith.addi %mul3A_7, %scan3A_28 : i32
      %mul3A_78 = arith.constant 65536 : i32
      %mul3A_79 = arith.muli %add3A_77, %mul3A_78 : i32
      %add3A_80 = arith.constant 32768 : i32
      %add3A_81 = arith.addi %mul3A_79, %add3A_80 : i32
      %multiple_of3A_82 = tpu.assume_multiple %add3A_81, 16384 : i32
      %dma_start3A_83 = arith.constant 0 : i32
      %dma_start3A_84 = tpu.memref_slice %arg4[%dma_start3A_83] : memref<100384xf32, #tpu.memory_space<vmem>> -> memref<16384xf32, #tpu.memory_space<vmem>>
      %dma_start3A_85 = tpu.memref_slice %arg3[%multiple_of3A_82] : memref<134217728xf32, #tpu.memory_space<hbm>> -> memref<16384xf32, #tpu.memory_space<hbm>>
      %dma_start3A_86 = tpu.memref_slice %arg3[%multiple_of3A_82] : memref<134217728xf32, #tpu.memory_space<hbm>> -> memref<16384xf32, #tpu.memory_space<hbm>>
      %dma_start3A_87 = arith.constant 0 : i32
      %dma_start3A_88 = tpu.memref_slice %arg4[%dma_start3A_87] : memref<100384xf32, #tpu.memory_space<vmem>> -> memref<16384xf32, #tpu.memory_space<vmem>>
      tpu.enqueue_dma source(%dma_start3A_88 : memref<16384xf32, #tpu.memory_space<vmem>>) target(%dma_start3A_86 : memref<16384xf32, #tpu.memory_space<hbm>>) target_semaphore(%arg5 : memref<!tpu.dma_semaphore, #tpu.memory_space<semaphore_mem>>)
      %dma_wait3A_89 = arith.constant 16384 : i32
      %dma_wait3A_90 = tpu.memref_slice %arg4[%dma_wait3A_89] : memref<100384xf32, #tpu.memory_space<vmem>> -> memref<16384xf32, #tpu.memory_space<vmem>>
      %dma_wait3A_91 = arith.constant 0 : i32
      %dma_wait3A_92 = tpu.memref_slice %arg3[%dma_wait3A_91] : memref<134217728xf32, #tpu.memory_space<hbm>> -> memref<16384xf32, #tpu.memory_space<hbm>>
      %dma_wait3A_93 = arith.constant 0 : i32
      %dma_wait3A_94 = tpu.memref_slice %arg3[%dma_wait3A_93] : memref<134217728xf32, #tpu.memory_space<hbm>> -> memref<16384xf32, #tpu.memory_space<hbm>>
      %dma_wait3A_95 = arith.constant 16384 : i32
      %dma_wait3A_96 = tpu.memref_slice %arg4[%dma_wait3A_95] : memref<100384xf32, #tpu.memory_space<vmem>> -> memref<16384xf32, #tpu.memory_space<vmem>>
      tpu.wait_dma2 semaphore(%arg6 : memref<!tpu.dma_semaphore, #tpu.memory_space<semaphore_mem>>) src(%dma_wait3A_96 : memref<16384xf32, #tpu.memory_space<vmem>>) dst(%dma_wait3A_94 : memref<16384xf32, #tpu.memory_space<hbm>>)
      %parallel_loop3A_97 = arith.constant 0 : i32
      %parallel_loop3A_98 = arith.constant 128 : i32
      %parallel_loop3A_99 = arith.constant 1 : i32
      scf.for %parallel_loop3A_112 = %parallel_loop3A_97 to %parallel_loop3A_98 step %parallel_loop3A_99  : i32 {
        %parallel_loop3A_113 = arith.constant 8 : i32
        %parallel_loop3A_114 = arith.divsi %parallel_loop3A_112, %parallel_loop3A_113 : i32
        %parallel_loop3A_115 = arith.constant 0 : i32
        %parallel_loop3A_116 = arith.cmpi sgt, %parallel_loop3A_112, %parallel_loop3A_115 : i32
        %parallel_loop3A_117 = arith.extui %parallel_loop3A_116 : i1 to i32
        %parallel_loop3A_118 = arith.constant 0 : i32
        %parallel_loop3A_119 = arith.cmpi slt, %parallel_loop3A_112, %parallel_loop3A_118 : i32
        %parallel_loop3A_120 = arith.extui %parallel_loop3A_119 : i1 to i32
        %parallel_loop3A_121 = arith.subi %parallel_loop3A_117, %parallel_loop3A_120 : i32
        %parallel_loop3A_122 = arith.constant 0 : i32
        %parallel_loop3A_123 = arith.cmpi sgt, %parallel_loop3A_113, %parallel_loop3A_122 : i32
        %parallel_loop3A_124 = arith.extui %parallel_loop3A_123 : i1 to i32
        %parallel_loop3A_125 = arith.constant 0 : i32
        %parallel_loop3A_126 = arith.cmpi slt, %parallel_loop3A_113, %parallel_loop3A_125 : i32
        %parallel_loop3A_127 = arith.extui %parallel_loop3A_126 : i1 to i32
        %parallel_loop3A_128 = arith.subi %parallel_loop3A_124, %parallel_loop3A_127 : i32
        %parallel_loop3A_129 = arith.cmpi ne, %parallel_loop3A_121, %parallel_loop3A_128 : i32
        %parallel_loop3A_130 = arith.remsi %parallel_loop3A_112, %parallel_loop3A_113 : i32
        %parallel_loop3A_131 = arith.constant 0 : i32
        %parallel_loop3A_132 = arith.cmpi ne, %parallel_loop3A_130, %parallel_loop3A_131 : i32
        %parallel_loop3A_133 = arith.andi %parallel_loop3A_129, %parallel_loop3A_132 : i1
        %parallel_loop3A_134 = arith.constant 1 : i32
        %parallel_loop3A_135 = arith.subi %parallel_loop3A_114, %parallel_loop3A_134 : i32
        %parallel_loop3A_136 = arith.select %parallel_loop3A_133, %parallel_loop3A_135, %parallel_loop3A_114 : i32
        %parallel_loop3A_137 = arith.constant 8 : i32
        %parallel_loop3A_138 = arith.constant 0 : i32
        %parallel_loop3A_139 = arith.cmpi eq, %parallel_loop3A_137, %parallel_loop3A_138 : i32
        %parallel_loop3A_140 = arith.constant 1 : i32
        %parallel_loop3A_141 = arith.select %parallel_loop3A_139, %parallel_loop3A_140, %parallel_loop3A_137 : i32
        %parallel_loop3A_142 = arith.remsi %parallel_loop3A_112, %parallel_loop3A_141 : i32
        %parallel_loop3A_143 = arith.constant 0 : i32
        %parallel_loop3A_144 = arith.cmpi ne, %parallel_loop3A_142, %parallel_loop3A_143 : i32
        %parallel_loop3A_145 = arith.constant 0 : i32
        %parallel_loop3A_146 = arith.cmpi slt, %parallel_loop3A_142, %parallel_loop3A_145 : i32
        %parallel_loop3A_147 = arith.constant 0 : i32
        %parallel_loop3A_148 = arith.cmpi slt, %parallel_loop3A_141, %parallel_loop3A_147 : i32
        %parallel_loop3A_149 = arith.xori %parallel_loop3A_146, %parallel_loop3A_148 : i1
        %parallel_loop3A_150 = arith.andi %parallel_loop3A_149, %parallel_loop3A_144 : i1
        %parallel_loop3A_151 = arith.addi %parallel_loop3A_142, %parallel_loop3A_141 : i32
        %parallel_loop3A_152 = arith.select %parallel_loop3A_150, %parallel_loop3A_151, %parallel_loop3A_142 : i32
        %parallel_loop3A_153 = arith.constant 24 : i32
        %parallel_loop3A_154 = arith.addi %parallel_loop3A_153, %parallel_loop3A_152 : i32
        %parallel_loop3A_155 = arith.constant 2112 : i32
        %parallel_loop3A_156 = arith.muli %parallel_loop3A_154, %parallel_loop3A_155 : i32
        %parallel_loop3A_157 = arith.constant 32800 : i32
        %parallel_loop3A_158 = arith.addi %parallel_loop3A_157, %parallel_loop3A_156 : i32
        %parallel_loop3A_159 = arith.addi %parallel_loop3A_158, %sub3A_30 : i32
        %parallel_loop3A_160 = arith.constant 128 : i32
        %parallel_loop3A_161 = arith.muli %parallel_loop3A_160, %parallel_loop3A_136 : i32
        %parallel_loop3A_162 = arith.addi %parallel_loop3A_159, %parallel_loop3A_161 : i32
        %parallel_loop3A_163 = arith.constant 128 : i32
        %parallel_loop3A_164 = arith.muli %parallel_loop3A_112, %parallel_loop3A_163 : i32
        %parallel_loop3A_165 = arith.constant 16384 : i32
        %parallel_loop3A_166 = arith.addi %parallel_loop3A_165, %parallel_loop3A_164 : i32
        %parallel_loop3A_167 = arith.constant 0 : i32
        %parallel_loop3A_168 = arith.addi %parallel_loop3A_162, %parallel_loop3A_167 : i32
        %parallel_loop3A_169 = arith.index_cast %parallel_loop3A_168 : i32 to index
        %parallel_loop3A_170 = tpu.vector_load %arg4[%parallel_loop3A_169] {strides = array<i32>} : memref<100384xf32, #tpu.memory_space<vmem>>, vector<16xf32>,
        %parallel_loop3A_171 = arith.constant 0 : i32
        %parallel_loop3A_172 = arith.addi %parallel_loop3A_166, %parallel_loop3A_171 : i32
        %parallel_loop3A_173 = arith.index_cast %parallel_loop3A_172 : i32 to index
        %parallel_loop3A_174 = tpu.vector_load %arg4[%parallel_loop3A_173] {strides = array<i32>} : memref<100384xf32, #tpu.memory_space<vmem>>, vector<16xf32>,
        tpu.vector_store %arg4[%parallel_loop3A_173], %parallel_loop3A_170 {strides = array<i32>} : memref<100384xf32, #tpu.memory_space<vmem>>, vector<16xf32>,
        %parallel_loop3A_175 = arith.constant 16 : i32
        %parallel_loop3A_176 = arith.addi %parallel_loop3A_162, %parallel_loop3A_175 : i32
        %parallel_loop3A_177 = arith.index_cast %parallel_loop3A_176 : i32 to index
        %parallel_loop3A_178 = tpu.vector_load %arg4[%parallel_loop3A_177] {strides = array<i32>} : memref<100384xf32, #tpu.memory_space<vmem>>, vector<16xf32>,
        %parallel_loop3A_179 = arith.constant 16 : i32
        %parallel_loop3A_180 = arith.addi %parallel_loop3A_166, %parallel_loop3A_179 : i32
        %parallel_loop3A_181 = arith.index_cast %parallel_loop3A_180 : i32 to index
        %parallel_loop3A_182 = tpu.vector_load %arg4[%parallel_loop3A_181] {strides = array<i32>} : memref<100384xf32, #tpu.memory_space<vmem>>, vector<16xf32>,
        tpu.vector_store %arg4[%parallel_loop3A_181], %parallel_loop3A_178 {strides = array<i32>} : memref<100384xf32, #tpu.memory_space<vmem>>, vector<16xf32>,
        %parallel_loop3A_183 = arith.constant 32 : i32
        %parallel_loop3A_184 = arith.addi %parallel_loop3A_162, %parallel_loop3A_183 : i32
        %parallel_loop3A_185 = arith.index_cast %parallel_loop3A_184 : i32 to index
        %parallel_loop3A_186 = tpu.vector_load %arg4[%parallel_loop3A_185] {strides = array<i32>} : memref<100384xf32, #tpu.memory_space<vmem>>, vector<16xf32>,
        %parallel_loop3A_187 = arith.constant 32 : i32
        %parallel_loop3A_188 = arith.addi %parallel_loop3A_166, %parallel_loop3A_187 : i32
        %parallel_loop3A_189 = arith.index_cast %parallel_loop3A_188 : i32 to index
        %parallel_loop3A_190 = tpu.vector_load %arg4[%parallel_loop3A_189] {strides = array<i32>} : memref<100384xf32, #tpu.memory_space<vmem>>, vector<16xf32>,
        tpu.vector_store %arg4[%parallel_loop3A_189], %parallel_loop3A_186 {strides = array<i32>} : memref<100384xf32, #tpu.memory_space<vmem>>, vector<16xf32>,
        %parallel_loop3A_191 = arith.constant 48 : i32
        %parallel_loop3A_192 = arith.addi %parallel_loop3A_162, %parallel_loop3A_191 : i32
        %parallel_loop3A_193 = arith.index_cast %parallel_loop3A_192 : i32 to index
        %parallel_loop3A_194 = tpu.vector_load %arg4[%parallel_loop3A_193] {strides = array<i32>} : memref<100384xf32, #tpu.memory_space<vmem>>, vector<16xf32>,
        %parallel_loop3A_195 = arith.constant 48 : i32
        %parallel_loop3A_196 = arith.addi %parallel_loop3A_166, %parallel_loop3A_195 : i32
        %parallel_loop3A_197 = arith.index_cast %parallel_loop3A_196 : i32 to index
        %parallel_loop3A_198 = tpu.vector_load %arg4[%parallel_loop3A_197] {strides = array<i32>} : memref<100384xf32, #tpu.memory_space<vmem>>, vector<16xf32>,
        tpu.vector_store %arg4[%parallel_loop3A_197], %parallel_loop3A_194 {strides = array<i32>} : memref<100384xf32, #tpu.memory_space<vmem>>, vector<16xf32>,
        %parallel_loop3A_199 = arith.constant 64 : i32
        %parallel_loop3A_200 = arith.addi %parallel_loop3A_162, %parallel_loop3A_199 : i32
        %parallel_loop3A_201 = arith.index_cast %parallel_loop3A_200 : i32 to index
        %parallel_loop3A_202 = tpu.vector_load %arg4[%parallel_loop3A_201] {strides = array<i32>} : memref<100384xf32, #tpu.memory_space<vmem>>, vector<16xf32>,
        %parallel_loop3A_203 = arith.constant 64 : i32
        %parallel_loop3A_204 = arith.addi %parallel_loop3A_166, %parallel_loop3A_203 : i32
        %parallel_loop3A_205 = arith.index_cast %parallel_loop3A_204 : i32 to index
        %parallel_loop3A_206 = tpu.vector_load %arg4[%parallel_loop3A_205] {strides = array<i32>} : memref<100384xf32, #tpu.memory_space<vmem>>, vector<16xf32>,
        tpu.vector_store %arg4[%parallel_loop3A_205], %parallel_loop3A_202 {strides = array<i32>} : memref<100384xf32, #tpu.memory_space<vmem>>, vector<16xf32>,
        %parallel_loop3A_207 = arith.constant 80 : i32
        %parallel_loop3A_208 = arith.addi %parallel_loop3A_162, %parallel_loop3A_207 : i32
        %parallel_loop3A_209 = arith.index_cast %parallel_loop3A_208 : i32 to index
        %parallel_loop3A_210 = tpu.vector_load %arg4[%parallel_loop3A_209] {strides = array<i32>} : memref<100384xf32, #tpu.memory_space<vmem>>, vector<16xf32>,
        %parallel_loop3A_211 = arith.constant 80 : i32
        %parallel_loop3A_212 = arith.addi %parallel_loop3A_166, %parallel_loop3A_211 : i32
        %parallel_loop3A_213 = arith.index_cast %parallel_loop3A_212 : i32 to index
        %parallel_loop3A_214 = tpu.vector_load %arg4[%parallel_loop3A_213] {strides = array<i32>} : memref<100384xf32, #tpu.memory_space<vmem>>, vector<16xf32>,
        tpu.vector_store %arg4[%parallel_loop3A_213], %parallel_loop3A_210 {strides = array<i32>} : memref<100384xf32, #tpu.memory_space<vmem>>, vector<16xf32>,
        %parallel_loop3A_215 = arith.constant 96 : i32
        %parallel_loop3A_216 = arith.addi %parallel_loop3A_162, %parallel_loop3A_215 : i32
        %parallel_loop3A_217 = arith.index_cast %parallel_loop3A_216 : i32 to index
        %parallel_loop3A_218 = tpu.vector_load %arg4[%parallel_loop3A_217] {strides = array<i32>} : memref<100384xf32, #tpu.memory_space<vmem>>, vector<16xf32>,
        %parallel_loop3A_219 = arith.constant 96 : i32
        %parallel_loop3A_220 = arith.addi %parallel_loop3A_166, %parallel_loop3A_219 : i32
        %parallel_loop3A_221 = arith.index_cast %parallel_loop3A_220 : i32 to index
        %parallel_loop3A_222 = tpu.vector_load %arg4[%parallel_loop3A_221] {strides = array<i32>} : memref<100384xf32, #tpu.memory_space<vmem>>, vector<16xf32>,
        tpu.vector_store %arg4[%parallel_loop3A_221], %parallel_loop3A_218 {strides = array<i32>} : memref<100384xf32, #tpu.memory_space<vmem>>, vector<16xf32>,
        %parallel_loop3A_223 = arith.constant 112 : i32
        %parallel_loop3A_224 = arith.addi %parallel_loop3A_162, %parallel_loop3A_223 : i32
        %parallel_loop3A_225 = arith.index_cast %parallel_loop3A_224 : i32 to index
        %parallel_loop3A_226 = tpu.vector_load %arg4[%parallel_loop3A_225] {strides = array<i32>} : memref<100384xf32, #tpu.memory_space<vmem>>, vector<16xf32>,
        %parallel_loop3A_227 = arith.constant 112 : i32
        %parallel_loop3A_228 = arith.addi %parallel_loop3A_166, %parallel_loop3A_227 : i32
        %parallel_loop3A_229 = arith.index_cast %parallel_loop3A_228 : i32 to index
        %parallel_loop3A_230 = tpu.vector_load %arg4[%parallel_loop3A_229] {strides = array<i32>} : memref<100384xf32, #tpu.memory_space<vmem>>, vector<16xf32>,
        tpu.vector_store %arg4[%parallel_loop3A_229], %parallel_loop3A_226 {strides = array<i32>} : memref<100384xf32, #tpu.memory_space<vmem>>, vector<16xf32>,
      } {sc.loop_unroll_factor = 8 : i64, sc.parallel_access}
      %add3A_100 = arith.addi %mul3A_7, %scan3A_28 : i32
      %mul3A_101 = arith.constant 65536 : i32
      %mul3A_102 = arith.muli %add3A_100, %mul3A_101 : i32
      %add3A_103 = arith.constant 49152 : i32
      %add3A_104 = arith.addi %mul3A_102, %add3A_103 : i32
      %multiple_of3A_105 = tpu.assume_multiple %add3A_104, 16384 : i32
      %dma_start3A_106 = arith.constant 16384 : i32
      %dma_start3A_107 = tpu.memref_slice %arg4[%dma_start3A_106] : memref<100384xf32, #tpu.memory_space<vmem>> -> memref<16384xf32, #tpu.memory_space<vmem>>
      %dma_start3A_108 = tpu.memref_slice %arg3[%multiple_of3A_105] : memref<134217728xf32, #tpu.memory_space<hbm>> -> memref<16384xf32, #tpu.memory_space<hbm>>
      %dma_start3A_109 = tpu.memref_slice %arg3[%multiple_of3A_105] : memref<134217728xf32, #tpu.memory_space<hbm>> -> memref<16384xf32, #tpu.memory_space<hbm>>
      %dma_start3A_110 = arith.constant 16384 : i32
      %dma_start3A_111 = tpu.memref_slice %arg4[%dma_start3A_110] : memref<100384xf32, #tpu.memory_space<vmem>> -> memref<16384xf32, #tpu.memory_space<vmem>>
      tpu.enqueue_dma source(%dma_start3A_111 : memref<16384xf32, #tpu.memory_space<vmem>>) target(%dma_start3A_109 : memref<16384xf32, #tpu.memory_space<hbm>>) target_semaphore(%arg6 : memref<!tpu.dma_semaphore, #tpu.memory_space<semaphore_mem>>)
    }
    %scan3A_12 = arith.constant 64 : i32
    %dma_wait3A = arith.constant 0 : i32
    %dma_wait3A_13 = tpu.memref_slice %arg4[%dma_wait3A] : memref<100384xf32, #tpu.memory_space<vmem>> -> memref<16384xf32, #tpu.memory_space<vmem>>
    %dma_wait3A_14 = arith.constant 0 : i32
    %dma_wait3A_15 = tpu.memref_slice %arg3[%dma_wait3A_14] : memref<134217728xf32, #tpu.memory_space<hbm>> -> memref<16384xf32, #tpu.memory_space<hbm>>
    %dma_wait3A_16 = arith.constant 0 : i32
    %dma_wait3A_17 = tpu.memref_slice %arg3[%dma_wait3A_16] : memref<134217728xf32, #tpu.memory_space<hbm>> -> memref<16384xf32, #tpu.memory_space<hbm>>
    %dma_wait3A_18 = arith.constant 0 : i32
    %dma_wait3A_19 = tpu.memref_slice %arg4[%dma_wait3A_18] : memref<100384xf32, #tpu.memory_space<vmem>> -> memref<16384xf32, #tpu.memory_space<vmem>>
    tpu.wait_dma2 semaphore(%arg5 : memref<!tpu.dma_semaphore, #tpu.memory_space<semaphore_mem>>) src(%dma_wait3A_19 : memref<16384xf32, #tpu.memory_space<vmem>>) dst(%dma_wait3A_17 : memref<16384xf32, #tpu.memory_space<hbm>>)
    %dma_wait3A_20 = arith.constant 16384 : i32
    %dma_wait3A_21 = tpu.memref_slice %arg4[%dma_wait3A_20] : memref<100384xf32, #tpu.memory_space<vmem>> -> memref<16384xf32, #tpu.memory_space<vmem>>
    %dma_wait3A_22 = arith.constant 0 : i32
    %dma_wait3A_23 = tpu.memref_slice %arg3[%dma_wait3A_22] : memref<134217728xf32, #tpu.memory_space<hbm>> -> memref<16384xf32, #tpu.memory_space<hbm>>
    %dma_wait3A_24 = arith.constant 0 : i32
    %dma_wait3A_25 = tpu.memref_slice %arg3[%dma_wait3A_24] : memref<134217728xf32, #tpu.memory_space<hbm>> -> memref<16384xf32, #tpu.memory_space<hbm>>
    %dma_wait3A_26 = arith.constant 16384 : i32
    %dma_wait3A_27 = tpu.memref_slice %arg4[%dma_wait3A_26] : memref<100384xf32, #tpu.memory_space<vmem>> -> memref<16384xf32, #tpu.memory_space<vmem>>
    tpu.wait_dma2 semaphore(%arg6 : memref<!tpu.dma_semaphore, #tpu.memory_space<semaphore_mem>>) src(%dma_wait3A_27 : memref<16384xf32, #tpu.memory_space<vmem>>) dst(%dma_wait3A_25 : memref<16384xf32, #tpu.memory_space<hbm>>)
    return
  }
}

</mosaic_0001>

<sc_bundles>
// kernel: kernel.3.cloned.1.call-start
scs
__scs_entry_jumppad:
0x0: {  	(pc) =	sbr.rel $0x88, $3  }
0x1: {  	(tag) =	ssettag $0x0;
	lr =	simm.s32 $0x1  }
0x2: {  	[smem:$0x3FA0] =	sst lr;
	_ =	strace $0xD0000000  }
0x3: {  	_ = 	snop  }
0x4: {  	_ = 	snop  }
0x5: {  	_ = 	snop  }
0x6: {  	_ = 	snop  }
0x7: {  	_ = 	snop  }
__scs_overlays_trampoline_lowered:
0x8: {  	[smem:$0x3FAF] =	sst s0  }
0x9: {  	[smem:$0x3FB0] =	sst s1  }
0xa: {  	[smem:$0x3FB1] =	sst s2  }
0xb: {  	[smem:$0x3FB2] =	sst s3  }
0xc: {  	[smem:$0x3FB3] =	sst s4  }
0xd: {  	[smem:$0x3FB4] =	sst s5  }
0xe: {  	[smem:$0x3FB5] =	sst s6  }
0xf: {  	[smem:$0x3FB6] =	sst s7  }
0x10: {  	[smem:$0x3FB7] =	sst s8  }
0x11: {  	[smem:$0x3FB8] =	sst s9;
	s0 =	simm.s32 @!p0 $0x0  }
0x12: {  	s1 =	sld [smem:$0x3F9E];
	s0 =	simm.s32 @p0 $0x1  }
0x13: {  	[smem:$0x3FB9] =	sst s0;
	s0 =	simm.s32 @!p1 $0x0  }
0x14: {  	s2 =	sld [smem:$0x3F9D];
	s0 =	simm.s32 @p1 $0x1  }
0x15: {  	[smem:$0x3FBA] =	sst s0;
	s0 =	simm.s32 @!p2 $0x0  }
0x16: {  	s3 =	sld [smem:$0x3FDB];
	s0 =	simm.s32 @p2 $0x1  }
0x17: {  	s4 =	simm.s32 $0x1BF5;
	[smem:$0x3FBC] =	sst s0  }
0x18: {  	s0 =	sld [smem:$0x3F9F];
	_ =	swait.ge [sflag:s4], $0x0  }
0x19: {  	s7 =	sld [smem:$0x3FA0]  }
0x1a: {  	s8 =	sadd.s32 $0xFFFFE003, lr  }
0x1b: {  	s9 =	sadd.s32 $0xFFFFFEF7, lr;
	s5 =	simm.s32 $0xFFFFFFFF;
	p2 =	slt.u32 s8, $0xFFFFF086  }
0x1c: {  	p1 =	slt.u32 s9, $0xF7A;
	s5 =	simm.s32 @!p2 $0x0  }
0x1d: {  	s5 =	simm.s32 @p1 $0x1;
	p0 =	seq.s32 s7, s2  }
0x1e: {  	s7 =	smul.u32 @!p0 $0xF7A, s2;
	p2 =	seq.s32 @!p0 s5, $0x0  }
0x1f: {  	s9 =	smul.u32 $0xF7A, s1;
	s8 =	simm.s32 @!p0 $0x1BF5;
	p2 =	por !p2, p0  }
0x20: {  	[sflag:s8] =	ssyncset.s32 @!p0 $0xFFFFF086;
	s6 =	sadd.s32 @!p0 s3, s7;
	s7 =	simm.s32 @!p0 $0x108  }
0x21: {  	s3 =	sadd.s32 s3, s9;
	s6 =	sadd.s32 @!p0 $0x88, s6;
	s7 =	simm.s32 @p2 $0x1082  }
0x22: {  	[simem:s7], [sflag:s8] =	dma.local @!p0 [hbm:s6], $0xF7A  }
0x23: {  	s9 =	sor.u32 $0xD0000000, s2;
	s6 =	simm.s32 $0x108;
	_ =	swait.ge @!p0 [sflag:s8], $0x0  }
0x24: {  	s3 =	sadd.s32 $0x88, s3;
	s6 =	simm.s32 @!p1 $0x1082;
	[sflag:s4] =	ssyncset.s32 $0xFFFFF086  }
0x25: {  	[simem:s6], [sflag:s4] =	dma.local [hbm:s3], $0xF7A  }
0x26: {  	[smem:$0x3FA0] =	sst s1;
	(tag) =	ssettag s2;
	_ =	strace s9  }
0x27: {  	s1 =	sld [smem:$0x3FB0]  }
0x28: {  	s2 =	sld [smem:$0x3FB1]  }
0x29: {  	s4 =	sld [smem:$0x3FB3]  }
0x2a: {  	p0 =	seq.s32 s5, $0x0;
	s5 =	sld [smem:$0x3FB4]  }
0x2b: {  	s6 =	sld [smem:$0x3FB5]  }
0x2c: {  	s7 =	sld [smem:$0x3FB6]  }
0x2d: {  	s3 =	simm.s32 $0x108;
	s8 =	sld [smem:$0x3FB7]  }
0x2e: {  	s3 =	simm.s32 @!p0 $0x1082;
	s9 =	sld [smem:$0x3FB8]  }
0x2f: {  	lr =	sadd.s32 s0, s3;
	s0 =	sld [smem:$0x3FAF]  }
0x30: {  	s3 =	sld [smem:$0x3FB2]  }
0x31: {  	[smem:$0x3FBB] =	sst s10  }
0x32: {  	s10 =	sld [smem:$0x3FB9];
	_ =	sdelay $0x3  }
0x33: {  	p0 =	seq.s32 s10, $0x1;
	s10 =	sld [smem:$0x3FBB];
	_ =	sdelay $0x3  }
0x34: {  	[smem:$0x3FBB] =	sst s10  }
0x35: {  	s10 =	sld [smem:$0x3FBA];
	_ =	sdelay $0x3  }
0x36: {  	p1 =	seq.s32 s10, $0x1;
	s10 =	sld [smem:$0x3FBB];
	_ =	sdelay $0x3  }
0x37: {  	[smem:$0x3FBB] =	sst s10  }
0x38: {  	s10 =	sld [smem:$0x3FBC]  }
0x39: {  	_ = 	snop;
	(pc) =	sbr.ind lr, $3  }
0x3a: {  	_ = 	snop  }
0x3b: {  	_ = 	snop  }
0x3c: {  	p2 =	seq.s32 s10, $0x1;
	s10 =	sld [smem:$0x3FBB]  }
0x3d: {  	_ =	shalt  }
0x3e: {  	_ =	shalt  }
0x3f: {  	_ =	shalt  }
0x40: {  	_ =	shalt  }
0x41: {  	_ =	shalt  }
0x42: {  	_ =	shalt  }
0x43: {  	_ =	shalt  }
0x44: {  	_ =	shalt  }
0x45: {  	_ =	shalt  }
0x46: {  	_ =	shalt  }
0x47: {  	_ =	shalt  }
0x48: {  	_ =	shalt  }
0x49: {  	_ =	shalt  }
0x4a: {  	_ =	shalt  }
0x4b: {  	_ =	shalt  }
0x4c: {  	_ =	shalt  }
0x4d: {  	_ =	shalt  }
0x4e: {  	_ =	shalt  }
0x4f: {  	_ =	shalt  }
0x50: {  	_ =	shalt  }
0x51: {  	_ =	shalt  }
0x52: {  	_ =	shalt  }
0x53: {  	_ =	shalt  }
0x54: {  	_ =	shalt  }
0x55: {  	_ =	shalt  }
0x56: {  	_ =	shalt  }
0x57: {  	_ =	shalt  }
0x58: {  	_ =	shalt  }
0x59: {  	_ =	shalt  }
0x5a: {  	_ =	shalt  }
0x5b: {  	_ =	shalt  }
0x5c: {  	_ =	shalt  }
0x5d: {  	_ =	shalt  }
0x5e: {  	_ =	shalt  }
0x5f: {  	_ =	shalt  }
0x60: {  	_ =	shalt  }
0x61: {  	_ =	shalt  }
0x62: {  	_ =	shalt  }
0x63: {  	_ =	shalt  }
0x64: {  	_ =	shalt  }
0x65: {  	_ =	shalt  }
0x66: {  	_ =	shalt  }
0x67: {  	_ =	shalt  }
0x68: {  	_ =	shalt  }
0x69: {  	_ =	shalt  }
0x6a: {  	_ =	shalt  }
0x6b: {  	_ =	shalt  }
0x6c: {  	_ =	shalt  }
0x6d: {  	_ =	shalt  }
0x6e: {  	_ =	shalt  }
0x6f: {  	_ =	shalt  }
0x70: {  	_ =	shalt  }
0x71: {  	_ =	shalt  }
0x72: {  	_ =	shalt  }
0x73: {  	_ =	shalt  }
0x74: {  	_ =	shalt  }
0x75: {  	_ =	shalt  }
0x76: {  	_ =	shalt  }
0x77: {  	_ =	shalt  }
0x78: {  	_ =	shalt  }
0x79: {  	_ =	shalt  }
0x7a: {  	_ =	shalt  }
0x7b: {  	_ =	shalt  }
0x7c: {  	_ =	shalt  }
0x7d: {  	_ =	shalt  }
0x7e: {  	_ =	shalt  }
0x7f: {  	_ =	shalt  }
0x80: {  	_ =	shalt  }
0x81: {  	_ =	shalt  }
0x82: {  	_ =	shalt  }
0x83: {  	_ =	shalt  }
0x84: {  	_ =	shalt  }
0x85: {  	_ =	shalt  }
0x86: {  	_ =	shalt  }
0x87: {  	_ =	shalt  }
.Lfunc_end0:
.L_simem_size_0:
called_computation_lowered:
.L_overlay_start_0:
0x88: {  	s2 =	sld [smem:$0x3FD9]  }
0x89: {  	s3 =	sld [smem:$0x3FFE];
	_ =	sdelay $0x1  }
0x8a: {  	s1 =	srdreg.scid  }
0x8b: {  	s0 =	sand.u32 $0x1, s1  }
0x8c: {  	s17 =	sshll.u32 s0, $0xA;
	s2 =	sadd.s32 s3, s2  }
0x8d: {  	s2 =	sadd.s32 s2, s17  }
0x8e: {  	[smem:$0x3FC7] =	sst s2  }
0x8f: {  	_ = 	snop  }
0x90: {  	s2 =	sld [smem:$0x3FD0];
	(tm) =	ssettm $0x1  }
0x91: {  	s18 =	sld [smem:$0x3FFB];
	_ =	sdelay $0x3  }
0x92: {  	_ =	strace s18  }
0x93: {  	s3 =	sld [smem:$0x3FFC];
	_ =	sdelay $0x3  }
0x94: {  	_ =	strace s3  }
0x95: {  	s3 =	sld [smem:$0x3FFD];
	_ =	sdelay $0x3  }
0x96: {  	_ =	strace s3  }
0x97: {  	_ =	strace $0x8FFFFFFF  }
0x98: {  	s19 =	sld [smem:$0x3FDB];
	_ =	sdelay $0x1  }
0x99: {  	s4 =	simm.s32 $_scs_section_size  }
0x9a: {  	s5 =	simm.s32 $_size__tile_overlayer_lowered;
	s6 =	simm.s32 $_tile_overlayer_lowered  }
0x9b: {  	s22 =	simm.s32 $0x1BFF;
	s21 =	sshll.u32 s6, $0x1;
	s3 =	sadd.s32 s4, s19  }
0x9c: {  	s7 =	simm.s32 $0x0;
	s20 =	sshll.u32 s5, $0x1;
	s5 =	sadd.s32 s21, s3  }
0x9d: {  	[timem:s7], [sflag:s22] =	dma.local [hbm:s5], s20  }
0x9e: {  	_ =	swait.ge [sflag:s22], s20  }
0x9f: {  	s4 =	ssub.s32 $0x0, s20;
	[sflag:s22] =	ssyncset.done $0x0  }
0xa0: {  	[sflag:s22] =	ssyncadd.s32 s4;
	_ =	sdelay $0x1  }
0xa1: {  	s23 =	simm.s32 $0x1B8B  }
0xa2: {  	_ =	swait.ge [sflag:s23], $0x1  }
0xa3: {  	[sflag:s23] =	ssyncset.done $0x0  }
0xa4: {  	s25 =	simm.s32 $0x1B8E;
	s24 =	sld [smem:$0x3FFE];
	[sflag:s23] =	ssyncadd.s32 $0xFFFFFFFF  }
0xa5: {  	s26 =	simm.s32 $execute0_lowered;
	[smem:$0x3FD2] =	sst s25  }
0xa6: {  	s5 =	sshll.u32 s26, $0x1;
	_ =	strace $0x80000046;
	[dreg:$0x1] =	wrdreg $0xFFFFFFFF  }
0xa7: {  	s28 =	simm.s32 $_size_execute0_lowered;
	s3 =	sadd.s32 s3, s5;
	[dreg:$0x0] =	wrdreg $0x0  }
0xa8: {  	s5 =	sshll.u32 s28, $0x1;
	[dreg:$0x2] =	wrdreg s3  }
0xa9: {  	[dreg:$0x3] =	wrdreg s5  }
0xaa: {  	[dreg:$0x4] =	wrdreg $0xC0  }
0xab: {  	_ =	task [dreg:s7], $0x5FFFF  }
0xac: {  	[dreg:$0x1] =	wrdreg $0xFFFFFFFF  }
0xad: {  	[dreg:$0x0] =	wrdreg $0x60  }
0xae: {  	[dreg:$0x2] =	wrdreg s24  }
0xaf: {  	[dreg:$0x3] =	wrdreg s2  }
0xb0: {  	[dreg:$0x4] =	wrdreg $0x9  }
0xb1: {  	_ =	task.clear_ibuf [dreg:s7], $0x5FFFF;
	_ =	strace $0x90000046  }
0xb2: {  	s29 =	simm.s32 $0x9;
	_ =	strace $0x80000048  }
0xb3: {  	_ =	swait.ge [sflag:s29], $0x1  }
0xb4: {  	[sflag:s29] =	ssyncadd.s32 $0xFFFFFFFF  }
0xb5: {  	_ =	strace $0x90000048  }
0xb6: {  	_ =	sfence  }
0xb7: {  	s30 =	sld [smem:$0x0];
	_ =	sdelay $0x2  }
0xb8: {  	s31 =	sshll.u32 s1, $0xD;
	s1 =	sshrl.u32 s1, $0x2  }
0xb9: {  	s3 =	sand.u32 $0x4000, s31;
	s1 =	sadd.s32 s1, s30  }
0xba: {  	s0 =	sor.u32 s3, s0;
	s1 =	sshll.u32 s1, $0x11  }
0xbb: {  	s0 =	sor.u32 s1, s0  }
0xbc: {  	s0 =	sadd.s32 $0x8F2B, s0  }
0xbd: {  	[sflag:s0] =	ssyncadd.remote.s32 $0x1  }
0xbe: {  	_ =	sfence.sel $0xFFFF  }
0xbf: {  	[dreg:$0x0] =	wrdreg $0xFFFFFFFF;
	(pc) =	sbr.abs _section_cstart, $3  }
0xc0: {  	[dreg:$0x1] =	wrdreg $0xFFFFFFFF  }
0xc1: {  	_ =	task.clear_ibuf [dreg:s7], $0x2FFFF;
	_ =	strace $0x9FFFFFFF  }
0xc2: {  	(tm) =	ssettm $0x7FFFFFFF  }
0xc3: {  	_ =	shalt  }
tec
execute0_lowered:
.L_overlay_start_1:
0x0: {  	(tag) =	ssettag $0x1  }
0x1: {  	s4 =	rddreg [dreg:$0x0]  }
0x2: {  	s1 =	rddreg [dreg:$0x1];
	s2 =	simm.s32 $0x0  }
0x3: {  	s3 =	srdreg.scid;
	s0 =	stileid.u32;
	s10 =	simm.s32 $0x3  }
0x4: {  	s11 =	simm.s32 $0x4000;
	s12 =	simm.s32 $0x1;
	s13 =	simm.s32 $0x2  }
0x5: {  	s14 =	simm.s32 $0x0;
	[smem:$0x7FF] =	sst s2;
	s5 =	sand.u32 $0x1, s3  }
0x6: {  	s8 =	sshll.u32 s0, $0x7;
	s4 =	sadd.s32 $0x400, s4;
	s6 =	ssub.s32 $0x2, s5  }
0x7: {  	_ =	strace $0x80000047;
	s5 =	sshll.u32 s5, $0x6;
	s7 =	sshrl.u32 s6, $0x1  }
0x8: {  	s5 =	sor.u32 s5, s8;
	s8 =	sadd.s32 $0x1800, s1;
	s9 =	ssub.s32 s6, s7  }
0x9: {  	v0 =	vlaneseq.u32;
	s6 =	sadd.s32 $0x800, s1;
	s7 =	sadd.s32 $0x1000, s1;
	s9 =	smax.u32 s9, $0x1  }
.LBB2_1:
0xa: {  	[tilespmem:s2], [sflag:$0x3] =	stream.linear.gather [hbm4b:s4+s2], $0x8020, $0x38;
	[tilespmem:$0x18880] =	vst v63  }
0xb: {  	s15 =	simm.s32 $0x0  }
0xc: {  	s16 =	sor.u32 $0x3, s15  }
0xd: {  	s18 =	sor.u32 $0x1, s15;
	s19 =	smul.u32 $0xF83F, s15;
	s17 =	sand.u32 $0xFFFF, s16  }
0xe: {  	s15 =	sor.u32 $0x2, s15;
	s20 =	sand.u32 $0xFFFF, s18;
	s17 =	smul.u32 $0xF83F, s17  }
0xf: {  	s22 =	sand.u32 $0xFFFF, s15;
	s20 =	smul.u32 $0xF83F, s20  }
0x10: {  	s21 =	sshrl.u32 s19, $0x17;
	s22 =	smul.u32 $0xF83F, s22  }
0x11: {  	s19 =	smul.u32 $0x401, s21  }
0x12: {  	s29 =	smul.u32 $0x84, s21  }
0x13: {  	s21 =	smul.u32 $0x2100, s21;
	s17 =	sshrl.u32 s17, $0x17  }
0x14: {  	s20 =	sshrl.u32 s20, $0x17;
	s17 =	smul.u32 $0x84, s17  }
0x15: {  	_ =	swait.ge [sflag:s10], $0x8020;
	s22 =	sshrl.u32 s22, $0x17;
	s25 =	smul.u32 $0x84, s20  }
0x16: {  	s26 =	ssub.s32 s19, s5;
	s28 =	smul.u32 $0x84, s22;
	s21 =	sshrl.u32 s21, $0x2  }
0x17: {  	s23 =	sadd.s32 $0x1C1, s26;
	s16 =	ssub.s32 s16, s17;
	s17 =	ssub.s32 s18, s25  }
0x18: {  	s15 =	ssub.s32 s15, s28;
	s25 =	sadd.s32 $0x400, s19;
	s16 =	sshll.u32 s16, $0x4  }
0x19: {  	s17 =	sshll.u32 s17, $0x4;
	s15 =	sshll.u32 s15, $0x4;
	s22 =	sand.u32 $0xFFF0, s16  }
0x1a: {  	s20 =	sand.u32 $0xFFF0, s17;
	s16 =	ssub.s32 $0x0, s29;
	s24 =	sadd.s32 s22, s23  }
0x1b: {  	s30 =	sshll.u32 s16, $0x4;
	s31 =	sadd.s32 s20, s23;
	s16 =	simm.s32 $0x4  }
0x1c: {  	v1 =	vmov s19;
	v2 =	vadd.s32 s24, v0;
	s24 =	sand.u32 $0xFFF0, s15;
	s26 =	sor.u32 $0x3, s16;
	s18 =	smul.u32 $0xF83F, s16  }
0x1d: {  	v3 =	vadd.s32 s31, v0;
	s29 =	sor.u32 $0x1, s16;
	vm0 =	vgt.s32 v1, v2;
	s0 =	sadd.s32 s24, s23;
	s28 =	sand.u32 $0xFFFF, s26  }
0x1e: {  	s15 =	sand.u32 $0xFFF0, s30;
	vm12 =	vgt.s32 v1, v3;
	s30 =	sand.u32 $0xFFFF, s29;
	v2 =	vsel vm0, s19, v2;
	v4 =	vadd.s32 s0, v0;
	s3 =	smul.u32 $0xF83F, s28  }
0x1f: {  	s28 =	sor.u32 $0x2, s16;
	v3 =	vsel vm12, s19, v3;
	s30 =	smul.u32 $0xF83F, s30;
	s17 =	sshrl.u32 s18, $0x17;
	v2 =	vmin.u32 v2, s25;
	vm13 =	vgt.s32 v1, v4  }
0x20: {  	s23 =	sadd.s32 s15, s23;
	v3 =	vmin.u32 v3, s25;
	s31 =	sand.u32 $0xFFFF, s28;
	s18 =	smul.u32 $0x401, s17;
	v4 =	vsel vm13, s19, v4  }
0x21: {  	v5 =	vadd.s32 s23, v0;
	s0 =	sshrl.u32 s3, $0x17;
	s3 =	sadd.s32 $0x8020, s21;
	s21 =	smul.u32 $0xF83F, s31;
	v4 =	vmin.u32 v4, s25  }
0x22: {  	[sflag:s10] =	ssyncset.done $0x0;
	vm14 =	vgt.s32 v1, v5;
	s30 =	sshrl.u32 s30, $0x17;
	s0 =	smul.u32 $0x84, s0  }
0x23: {  	[sflag:s10] =	ssyncadd.s32 $0xFFFF7FE0;
	v1 =	vsel vm14, s19, v5;
	s22 =	sadd.s32 s22, s3;
	s31 =	smul.u32 $0x84, s30  }
0x24: {  	v5 =	vmin.u32 v1, s25;
	s30 =	smul.u32 $0x84, s17;
	s21 =	sshrl.u32 s21, $0x17;
	s0 =	ssub.s32 s26, s0;
	v2 =	vld.idx.msk [tilespmem:v2+s2+$0x0], $0xffff  }
0x25: {  	s26 =	ssub.s32 s18, s5;
	s25 =	ssub.s32 s29, s31;
	s0 =	sshll.u32 s0, $0x4;
	v3 =	vld.idx.msk [tilespmem:v3+s2+$0x0], $0xffff  }
0x26: {  	s21 =	smul.u32 $0x84, s21;
	s23 =	sadd.s32 $0x1C1, s26;
	s19 =	sand.u32 $0xFFF0, s0;
	v4 =	vld.idx.msk [tilespmem:v4+s2+$0x0], $0xffff  }
0x27: {  	s31 =	sadd.s32 s20, s3;
	s0 =	sshll.u32 s25, $0x4;
	s26 =	sadd.s32 s19, s23  }
0x28: {  	v1 =	vmov s18;
	s21 =	ssub.s32 s28, s21;
	s25 =	sadd.s32 s24, s3;
	s28 =	ssub.s32 $0x4, s30;
	v6 =	vadd.s32 s26, v0  }
0x29: {  	s24 =	sadd.s32 $0x400, s18;
	s20 =	sand.u32 $0xFFF0, s0;
	s0 =	sshll.u32 s21, $0x4;
	vm15 =	vgt.s32 v1, v6;
	[tilespmem:s22+$0x0] =	vst v2;
	v2 =	vld.idx.msk [tilespmem:v5+s2+$0x0], $0xffff  }
0x2a: {  	s30 =	sshll.u32 s28, $0x4;
	[tilespmem:s31+$0x0] =	vst v3;
	v3 =	vsel vm15, s18, v6;
	s31 =	sadd.s32 s20, s23;
	s22 =	sand.u32 $0xFFF0, s0  }
0x2b: {  	s21 =	sand.u32 $0xFFF0, s30;
	v3 =	vmin.u32 v3, s24;
	s26 =	sadd.s32 s22, s23;
	[tilespmem:s25+$0x0] =	vst v4;
	v4 =	vadd.s32 s31, v0;
	s25 =	sadd.s32 s15, s3  }
.LBB2_2:
0x2c: {  	s16 =	sadd.s32 $0x4, s16  }
0x2d: {  	s0 =	sadd.s32 s21, s23;
	s23 =	sor.u32 $0x3, s16  }
0x2e: {  	vm0 =	vgt.s32 v1, v4;
	v5 =	vadd.s32 s26, v0;
	[tilespmem:s25+$0x0] =	vst v2;
	v2 =	vadd.s32 s0, v0;
	s0 =	smul.u32 $0xF83F, s16;
	s26 =	sand.u32 $0xFFFF, s23  }
0x2f: {  	s3 =	sor.u32 $0x1, s16;
	s25 =	sor.u32 $0x2, s16;
	v4 =	vsel vm0, s18, v4;
	vm0 =	vgt.s32 v1, v5;
	vm1 =	vgt.s32 v1, v2;
	s26 =	smul.u32 $0xF83F, s26  }
0x30: {  	s15 =	simm.s32 $0x0;
	v1 =	vmin.u32 v4, s24;
	v4 =	vsel vm0, s18, v5;
	s28 =	sand.u32 $0xFFFF, s3;
	v2 =	vsel vm1, s18, v2;
	s18 =	smul.u32 $0x2100, s17  }
0x31: {  	s29 =	sand.u32 $0xFFFF, s25;
	v4 =	vmin.u32 v4, s24;
	v3 =	vld.idx.msk [tilespmem:v3+s15+$0x0], $0xffff;
	v2 =	vmin.u32 v2, s24;
	s24 =	smul.u32 $0xF83F, s28;
	s26 =	sshrl.u32 s26, $0x17  }
0x32: {  	p0 =	slt.u32 s16, $0x107C;
	s17 =	sshrl.u32 s0, $0x17;
	s0 =	smul.u32 $0x84, s26  }
0x33: {  	s26 =	sshrl.u32 s18, $0x2;
	s18 =	smul.u32 $0x401, s17  }
0x34: {  	s24 =	sshrl.u32 s24, $0x17;
	s28 =	sadd.s32 $0x8020, s26;
	s26 =	smul.u32 $0xF83F, s29  }
0x35: {  	v5 =	vld.idx.msk [tilespmem:v1+s15+$0x0], $0xffff;
	s24 =	smul.u32 $0x84, s24  }
0x36: {  	s0 =	ssub.s32 s23, s0;
	v4 =	vld.idx.msk [tilespmem:v4+s15+$0x0], $0xffff;
	s19 =	sadd.s32 s19, s28;
	s23 =	ssub.s32 s18, s5  }
0x37: {  	s0 =	sshll.u32 s0, $0x4;
	v2 =	vld.idx.msk [tilespmem:v2+s15+$0x0], $0xffff;
	[tilespmem:s19+$0x0] =	vst v3;
	s23 =	sadd.s32 $0x1C1, s23;
	s26 =	sshrl.u32 s26, $0x17  }
0x38: {  	s19 =	sand.u32 $0xFFF0, s0;
	s0 =	ssub.s32 s3, s24;
	s3 =	smul.u32 $0x84, s26  }
0x39: {  	s26 =	smul.u32 $0x84, s17;
	s24 =	sadd.s32 s19, s23  }
.Ltmp0:
0x3a: {  	v1 =	vmov s18;
	s0 =	sshll.u32 s0, $0x4;
	v3 =	vadd.s32 s24, v0;
	s24 =	sadd.s32 s20, s28;
	(pc) =	sbr.rel @p0 .LBB2_2-.Ltmp0, $4  }
0x3b: {  	s20 =	sand.u32 $0xFFF0, s0;
	s0 =	ssub.s32 s25, s3;
	s3 =	sadd.s32 s22, s28;
	vm0 =	vgt.s32 v1, v3;
	[tilespmem:s24+$0x0] =	vst v5  }
0x3c: {  	s22 =	ssub.s32 s16, s26;
	s24 =	sadd.s32 $0x400, s18;
	s0 =	sshll.u32 s0, $0x4;
	v3 =	vsel vm0, s18, v3;
	[tilespmem:s3+$0x0] =	vst v4  }
0x3d: {  	s25 =	sadd.s32 s20, s23;
	s3 =	sshll.u32 s22, $0x4;
	s22 =	sand.u32 $0xFFF0, s0;
	v3 =	vmin.u32 v3, s24  }
0x3e: {  	v4 =	vadd.s32 s25, v0;
	s25 =	sadd.s32 s21, s28;
	s26 =	sadd.s32 s22, s23;
	s21 =	sand.u32 $0xFFF0, s3  }
0x3f: {  	s0 =	sadd.s32 s21, s23;
	vm0 =	vgt.s32 v1, v4;
	v5 =	vadd.s32 s26, v0  }
0x40: {  	v6 =	vadd.s32 s0, v0;
	v4 =	vsel vm0, s18, v4;
	vm15 =	vgt.s32 v1, v5  }
0x41: {  	vm1 =	vgt.s32 v1, v6;
	v1 =	vsel vm15, s18, v5;
	v4 =	vmin.u32 v4, s24  }
0x42: {  	v63 =	vsel vm1, s18, v6;
	v1 =	vmin.u32 v1, s24  }
0x43: {  	v5 =	vmin.u32 v63, s24;
	_ =	sdelay $0x1  }
0x44: {  	v3 =	vld.idx.msk [tilespmem:v3+s15+$0x0], $0xffff;
	s29 =	smul.u32 $0x2100, s17  }
0x45: {  	v4 =	vld.idx.msk [tilespmem:v4+s15+$0x0], $0xffff  }
0x46: {  	s0 =	sshrl.u32 s29, $0x2;
	v1 =	vld.idx.msk [tilespmem:v1+s15+$0x0], $0xffff  }
0x47: {  	s0 =	sadd.s32 $0x8020, s0;
	v5 =	vld.idx.msk [tilespmem:v5+s15+$0x0], $0xffff  }
0x48: {  	[tilespmem:s25+$0x0] =	vst v2;
	s3 =	sadd.s32 s19, s0  }
0x49: {  	s30 =	sadd.s32 s20, s0;
	[tilespmem:s3+$0x0] =	vst v3  }
0x4a: {  	s31 =	sadd.s32 s22, s0;
	[tilespmem:s30+$0x0] =	vst v4  }
0x4b: {  	s0 =	sadd.s32 s21, s0;
	[tilespmem:s31+$0x0] =	vst v1  }
0x4c: {  	s16 =	simm.s32 $0x0;
	[tilespmem:s0+$0x0] =	vst v5  }
.LBB2_4:
0x4d: {  	p0 =	seq.s32 s16, $0x0  }
0x4e: {  	s0 =	simm.s32 @!p0 $0x1  }
0x4f: {  	_ =	swait.ge @!p0 [sflag:s0], $0x4000  }
0x50: {  	[sflag:s0] =	ssyncset.done @!p0 $0x0  }
0x51: {  	s17 =	sshra.s32 s15, $0x2;
	[sflag:s0] =	ssyncadd.s32 @!p0 $0xFFFFC000  }
0x52: {  	v1 =	vld [tilespmem:s17+$0xBA1F]  }
0x53: {  	v2 =	vld [tilespmem:s17+$0x805F]  }
0x54: {  	v3 =	vld [tilespmem:s17+$0x889F]  }
0x55: {  	v4 =	vld [tilespmem:s17+$0x90DF]  }
0x56: {  	s18 =	simm.s32 $0x0;
	v5 =	vld [tilespmem:s17+$0x991F]  }
0x57: {  	v6 =	vld [tilespmem:s17+$0xA15F];
	[tilespmem:s18+$0x380] =	vst v1  }
0x58: {  	[tilespmem:s18+$0x0] =	vst v2;
	v2 =	vld [tilespmem:s17+$0xA99F]  }
0x59: {  	[tilespmem:s18+$0x80] =	vst v3;
	v3 =	vld [tilespmem:s17+$0xB1DF]  }
0x5a: {  	[tilespmem:s18+$0x100] =	vst v4;
	v1 =	vld [tilespmem:s17+$0xBA2F]  }
0x5b: {  	[tilespmem:s18+$0x180] =	vst v5;
	v4 =	vld [tilespmem:s17+$0x806F]  }
0x5c: {  	[tilespmem:s18+$0x200] =	vst v6;
	v5 =	vld [tilespmem:s17+$0x88AF]  }
0x5d: {  	v6 =	vld [tilespmem:s17+$0x90EF];
	[tilespmem:s18+$0x280] =	vst v2  }
0x5e: {  	v2 =	vld [tilespmem:s17+$0x992F];
	[tilespmem:s18+$0x300] =	vst v3  }
0x5f: {  	v3 =	vld [tilespmem:s17+$0xA16F];
	[tilespmem:s18+$0x390] =	vst v1  }
0x60: {  	[tilespmem:s18+$0x10] =	vst v4;
	v4 =	vld [tilespmem:s17+$0xA9AF]  }
0x61: {  	[tilespmem:s18+$0x90] =	vst v5;
	v1 =	vld [tilespmem:s17+$0xBA3F]  }
0x62: {  	[tilespmem:s18+$0x110] =	vst v6;
	v5 =	vld [tilespmem:s17+$0xB1EF]  }
0x63: {  	v6 =	vld [tilespmem:s17+$0x807F];
	[tilespmem:s18+$0x190] =	vst v2  }
0x64: {  	v2 =	vld [tilespmem:s17+$0x88BF];
	[tilespmem:s18+$0x210] =	vst v3  }
0x65: {  	v3 =	vld [tilespmem:s17+$0x90FF];
	[tilespmem:s18+$0x290] =	vst v4  }
0x66: {  	v4 =	vld [tilespmem:s17+$0x993F];
	[tilespmem:s18+$0x3A0] =	vst v1  }
0x67: {  	[tilespmem:s18+$0x310] =	vst v5;
	v1 =	vld [tilespmem:s17+$0xBA4F]  }
0x68: {  	v5 =	vld [tilespmem:s17+$0xA17F];
	[tilespmem:s18+$0x20] =	vst v6  }
0x69: {  	v6 =	vld [tilespmem:s17+$0xA9BF];
	[tilespmem:s18+$0xA0] =	vst v2  }
0x6a: {  	[tilespmem:s18+$0x120] =	vst v3;
	v2 =	vld [tilespmem:s17+$0xB1FF]  }
0x6b: {  	v3 =	vld [tilespmem:s17+$0x808F];
	[tilespmem:s18+$0x1A0] =	vst v4  }
0x6c: {  	v4 =	vld [tilespmem:s17+$0x88CF];
	[tilespmem:s18+$0x3B0] =	vst v1  }
0x6d: {  	[tilespmem:s18+$0x220] =	vst v5;
	v1 =	vld [tilespmem:s17+$0xBA5F]  }
0x6e: {  	v5 =	vld [tilespmem:s17+$0x910F];
	[tilespmem:s18+$0x2A0] =	vst v6  }
0x6f: {  	v6 =	vld [tilespmem:s17+$0x994F];
	[tilespmem:s18+$0x320] =	vst v2  }
0x70: {  	[tilespmem:s18+$0x30] =	vst v3;
	v2 =	vld [tilespmem:s17+$0xA18F]  }
0x71: {  	v3 =	vld [tilespmem:s17+$0xA9CF];
	[tilespmem:s18+$0xB0] =	vst v4  }
0x72: {  	v4 =	vld [tilespmem:s17+$0xB20F];
	[tilespmem:s18+$0x3C0] =	vst v1  }
0x73: {  	[tilespmem:s18+$0x130] =	vst v5;
	v1 =	vld [tilespmem:s17+$0xBA6F]  }
0x74: {  	v5 =	vld [tilespmem:s17+$0x809F];
	[tilespmem:s18+$0x1B0] =	vst v6  }
0x75: {  	v6 =	vld [tilespmem:s17+$0x88DF];
	[tilespmem:s18+$0x230] =	vst v2  }
0x76: {  	v2 =	vld [tilespmem:s17+$0x911F];
	[tilespmem:s18+$0x2B0] =	vst v3  }
0x77: {  	v3 =	vld [tilespmem:s17+$0x995F];
	[tilespmem:s18+$0x330] =	vst v4  }
0x78: {  	v4 =	vld [tilespmem:s17+$0xA19F];
	[tilespmem:s18+$0x3D0] =	vst v1  }
0x79: {  	[tilespmem:s18+$0x40] =	vst v5;
	v1 =	vld [tilespmem:s17+$0xBA7F]  }
0x7a: {  	v5 =	vld [tilespmem:s17+$0xA9DF];
	[tilespmem:s18+$0xC0] =	vst v6  }
0x7b: {  	v6 =	vld [tilespmem:s17+$0xB21F];
	[tilespmem:s18+$0x140] =	vst v2  }
0x7c: {  	v2 =	vld [tilespmem:s17+$0x80AF];
	[tilespmem:s18+$0x1C0] =	vst v3  }
0x7d: {  	v3 =	vld [tilespmem:s17+$0x88EF];
	[tilespmem:s18+$0x240] =	vst v4  }
0x7e: {  	v4 =	vld [tilespmem:s17+$0x912F];
	[tilespmem:s18+$0x3E0] =	vst v1  }
0x7f: {  	[tilespmem:s18+$0x2C0] =	vst v5;
	v1 =	vld [tilespmem:s17+$0xBA8F]  }
0x80: {  	v5 =	vld [tilespmem:s17+$0x996F];
	[tilespmem:s18+$0x340] =	vst v6  }
0x81: {  	v6 =	vld [tilespmem:s17+$0xA1AF];
	[tilespmem:s18+$0x50] =	vst v2  }
0x82: {  	[tilespmem:s18+$0xD0] =	vst v3;
	v2 =	vld [tilespmem:s17+$0xB22F]  }
0x83: {  	v3 =	vld [tilespmem:s17+$0x80BF];
	[tilespmem:s18+$0x150] =	vst v4  }
0x84: {  	[tilespmem:s18+$0x3F0] =	vst v1;
	v1 =	vld [tilespmem:s17+$0xA9EF]  }
0x85: {  	v4 =	vld [tilespmem:s17+$0x88FF];
	[tilespmem:s18+$0x1D0] =	vst v5  }
0x86: {  	v5 =	vld [tilespmem:s17+$0x913F];
	[tilespmem:s18+$0x250] =	vst v6  }
0x87: {  	v6 =	vld [tilespmem:s17+$0x997F];
	[tilespmem:s18+$0x350] =	vst v2  }
0x88: {  	v7 =	vld [tilespmem:s17+$0xA1BF];
	[tilespmem:s18+$0x60] =	vst v3  }
0x89: {  	v8 =	vld [tilespmem:s17+$0xB23F];
	[tilespmem:s18+$0x2D0] =	vst v1  }
0x8a: {  	[tilespmem:s18+$0xE0] =	vst v4;
	v3 =	vld [tilespmem:s17+$0xA9FF]  }
0x8b: {  	v9 =	vld [tilespmem:s17+$0x80CF];
	[tilespmem:s18+$0x160] =	vst v5  }
0x8c: {  	v4 =	vld [tilespmem:s17+$0x890F];
	[tilespmem:s18+$0x1E0] =	vst v6  }
0x8d: {  	[tilespmem:s18+$0x260] =	vst v7;
	v1 =	vld [tilespmem:s17+$0x914F]  }
0x8e: {  	v2 =	vld [tilespmem:s17+$0x998F];
	[tilespmem:s18+$0x360] =	vst v8  }
0x8f: {  	[tilespmem:s18+$0x2E0] =	vst v3;
	v3 =	vld [tilespmem:s17+$0xA1CF]  }
0x90: {  	s19 =	simm.s32 $0x0;
	s20 =	sadd.s32 $0x200, s15;
	s21 =	simm.s32 $0x0;
	[tilespmem:s18+$0x70] =	vst v9;
	v5 =	vld [tilespmem:s17+$0xAA0F]  }
.LBB2_5:
0x91: {  	s19 =	sadd.s32 $0x8, s19;
	[tilespmem:s18+$0xF0] =	vst v4;
	v4 =	vld [tilespmem:s17+$0xB24F];
	s17 =	sshra.s32 s20, $0x2  }
0x92: {  	v6 =	vld [tilespmem:s17+$0xBA1F];
	p1 =	slt.u32 s19, $0x78;
	[tilespmem:s18+$0x170] =	vst v1  }
0x93: {  	v1 =	vld [tilespmem:s17+$0x805F];
	[tilespmem:s18+$0x1F0] =	vst v2  }
0x94: {  	v2 =	vld [tilespmem:s17+$0x889F];
	[tilespmem:s18+$0x270] =	vst v3  }
0x95: {  	s21 =	sadd.s32 $0x1000, s21;
	v3 =	vld [tilespmem:s17+$0x90DF];
	[tilespmem:s18+$0x2F0] =	vst v5  }
0x96: {  	v5 =	vld [tilespmem:s17+$0x991F];
	[tilespmem:s18+$0x370] =	vst v4;
	s18 =	sshra.s32 s21, $0x2  }
0x97: {  	v4 =	vld [tilespmem:s17+$0xA15F];
	[tilespmem:s18+$0x380] =	vst v6  }
0x98: {  	[tilespmem:s18+$0x0] =	vst v1;
	v1 =	vld [tilespmem:s17+$0xBA2F]  }
0x99: {  	[tilespmem:s18+$0x80] =	vst v2;
	v2 =	vld [tilespmem:s17+$0xA99F]  }
0x9a: {  	[tilespmem:s18+$0x100] =	vst v3;
	v3 =	vld [tilespmem:s17+$0xB1DF]  }
0x9b: {  	v6 =	vld [tilespmem:s17+$0x806F];
	[tilespmem:s18+$0x180] =	vst v5  }
0x9c: {  	v5 =	vld [tilespmem:s17+$0x88AF];
	[tilespmem:s18+$0x200] =	vst v4  }
0x9d: {  	v4 =	vld [tilespmem:s17+$0x90EF];
	[tilespmem:s18+$0x390] =	vst v1  }
0x9e: {  	[tilespmem:s18+$0x280] =	vst v2;
	v1 =	vld [tilespmem:s17+$0xBA3F]  }
0x9f: {  	v2 =	vld [tilespmem:s17+$0x992F];
	[tilespmem:s18+$0x300] =	vst v3  }
0xa0: {  	[tilespmem:s18+$0x10] =	vst v6;
	v3 =	vld [tilespmem:s17+$0xA16F]  }
0xa1: {  	[tilespmem:s18+$0x90] =	vst v5;
	v5 =	vld [tilespmem:s17+$0xA9AF]  }
0xa2: {  	[tilespmem:s18+$0x110] =	vst v4;
	v4 =	vld [tilespmem:s17+$0xB1EF]  }
0xa3: {  	v6 =	vld [tilespmem:s17+$0x807F];
	[tilespmem:s18+$0x3A0] =	vst v1  }
0xa4: {  	[tilespmem:s18+$0x190] =	vst v2;
	v1 =	vld [tilespmem:s17+$0xBA4F]  }
0xa5: {  	v2 =	vld [tilespmem:s17+$0x88BF];
	[tilespmem:s18+$0x210] =	vst v3  }
0xa6: {  	v3 =	vld [tilespmem:s17+$0x90FF];
	[tilespmem:s18+$0x290] =	vst v5  }
0xa7: {  	v5 =	vld [tilespmem:s17+$0x993F];
	[tilespmem:s18+$0x310] =	vst v4  }
0xa8: {  	[tilespmem:s18+$0x20] =	vst v6;
	v4 =	vld [tilespmem:s17+$0xA17F]  }
0xa9: {  	v6 =	vld [tilespmem:s17+$0xA9BF];
	[tilespmem:s18+$0x3B0] =	vst v1  }
0xaa: {  	[tilespmem:s18+$0xA0] =	vst v2;
	v1 =	vld [tilespmem:s17+$0xBA5F]  }
0xab: {  	[tilespmem:s18+$0x120] =	vst v3;
	v2 =	vld [tilespmem:s17+$0xB1FF]  }
0xac: {  	v3 =	vld [tilespmem:s17+$0x808F];
	[tilespmem:s18+$0x1A0] =	vst v5  }
0xad: {  	v5 =	vld [tilespmem:s17+$0x88CF];
	[tilespmem:s18+$0x220] =	vst v4  }
0xae: {  	v4 =	vld [tilespmem:s17+$0x910F];
	[tilespmem:s18+$0x2A0] =	vst v6  }
0xaf: {  	v6 =	vld [tilespmem:s17+$0x994F];
	[tilespmem:s18+$0x3C0] =	vst v1  }
0xb0: {  	[tilespmem:s18+$0x320] =	vst v2;
	v1 =	vld [tilespmem:s17+$0xBA6F]  }
0xb1: {  	[tilespmem:s18+$0x30] =	vst v3;
	v2 =	vld [tilespmem:s17+$0xA18F]  }
0xb2: {  	[tilespmem:s18+$0xB0] =	vst v5;
	v3 =	vld [tilespmem:s17+$0xA9CF]  }
0xb3: {  	[tilespmem:s18+$0x130] =	vst v4;
	v4 =	vld [tilespmem:s17+$0xB20F]  }
0xb4: {  	v5 =	vld [tilespmem:s17+$0x809F];
	[tilespmem:s18+$0x1B0] =	vst v6  }
0xb5: {  	v6 =	vld [tilespmem:s17+$0x88DF];
	[tilespmem:s18+$0x3D0] =	vst v1  }
0xb6: {  	[tilespmem:s18+$0x230] =	vst v2;
	v1 =	vld [tilespmem:s17+$0xBA7F]  }
0xb7: {  	v2 =	vld [tilespmem:s17+$0x911F];
	[tilespmem:s18+$0x2B0] =	vst v3  }
0xb8: {  	v3 =	vld [tilespmem:s17+$0x995F];
	[tilespmem:s18+$0x330] =	vst v4  }
0xb9: {  	[tilespmem:s18+$0x40] =	vst v5;
	v4 =	vld [tilespmem:s17+$0xA19F]  }
0xba: {  	[tilespmem:s18+$0xC0] =	vst v6;
	v5 =	vld [tilespmem:s17+$0xA9DF]  }
0xbb: {  	v6 =	vld [tilespmem:s17+$0xB21F];
	[tilespmem:s18+$0x3E0] =	vst v1  }
0xbc: {  	[tilespmem:s18+$0x140] =	vst v2;
	v1 =	vld [tilespmem:s17+$0xBA8F]  }
0xbd: {  	v2 =	vld [tilespmem:s17+$0x80AF];
	[tilespmem:s18+$0x1C0] =	vst v3  }
0xbe: {  	v3 =	vld [tilespmem:s17+$0x88EF];
	[tilespmem:s18+$0x240] =	vst v4  }
0xbf: {  	v4 =	vld [tilespmem:s17+$0x912F];
	[tilespmem:s18+$0x2C0] =	vst v5  }
0xc0: {  	v5 =	vld [tilespmem:s17+$0x996F];
	[tilespmem:s18+$0x340] =	vst v6  }
0xc1: {  	v6 =	vld [tilespmem:s17+$0xA1AF];
	[tilespmem:s18+$0x3F0] =	vst v1  }
0xc2: {  	[tilespmem:s18+$0x50] =	vst v2;
	v1 =	vld [tilespmem:s17+$0xA9EF]  }
0xc3: {  	[tilespmem:s18+$0xD0] =	vst v3;
	v2 =	vld [tilespmem:s17+$0xB22F]  }
0xc4: {  	v3 =	vld [tilespmem:s17+$0x80BF];
	[tilespmem:s18+$0x150] =	vst v4  }
0xc5: {  	v4 =	vld [tilespmem:s17+$0x88FF];
	[tilespmem:s18+$0x1D0] =	vst v5  }
0xc6: {  	v5 =	vld [tilespmem:s17+$0x913F];
	[tilespmem:s18+$0x250] =	vst v6  }
0xc7: {  	v6 =	vld [tilespmem:s17+$0x997F];
	[tilespmem:s18+$0x2D0] =	vst v1  }
0xc8: {  	v7 =	vld [tilespmem:s17+$0xA1BF];
	[tilespmem:s18+$0x350] =	vst v2  }
0xc9: {  	[tilespmem:s18+$0x60] =	vst v3;
	v3 =	vld [tilespmem:s17+$0xA9FF]  }
0xca: {  	[tilespmem:s18+$0xE0] =	vst v4;
	v8 =	vld [tilespmem:s17+$0xB23F]  }
0xcb: {  	v9 =	vld [tilespmem:s17+$0x80CF];
	[tilespmem:s18+$0x160] =	vst v5  }
.Ltmp1:
0xcc: {  	v4 =	vld [tilespmem:s17+$0x890F];
	[tilespmem:s18+$0x1E0] =	vst v6;
	(pc) =	sbr.rel @p1 .LBB2_5-.Ltmp1, $4  }
0xcd: {  	v1 =	vld [tilespmem:s17+$0x914F];
	[tilespmem:s18+$0x260] =	vst v7  }
0xce: {  	v2 =	vld [tilespmem:s17+$0x998F];
	[tilespmem:s18+$0x2E0] =	vst v3  }
0xcf: {  	v3 =	vld [tilespmem:s17+$0xA1CF];
	[tilespmem:s18+$0x360] =	vst v8  }
0xd0: {  	s20 =	sadd.s32 $0x200, s20;
	[tilespmem:s18+$0x70] =	vst v9;
	v5 =	vld [tilespmem:s17+$0xAA0F]  }
0xd1: {  	[tilespmem:s18+$0xF0] =	vst v4;
	v4 =	vld [tilespmem:s17+$0xB24F]  }
0xd2: {  	[tilespmem:s18+$0x170] =	vst v1  }
0xd3: {  	[tilespmem:s18+$0x1F0] =	vst v2  }
0xd4: {  	s0 =	sor.u32 s5, s16;
	[tilespmem:s18+$0x270] =	vst v3  }
0xd5: {  	s17 =	sshll.u32 s0, $0xD;
	[tilespmem:s18+$0x2F0] =	vst v5  }
0xd6: {  	s0 =	sadd.s32 s1, s17;
	[tilespmem:s18+$0x370] =	vst v4  }
0xd7: {  	[hbm4b:s0+s2] =	stream.linear.scatter [tilespmem:s2], [sflag:$0x1], $0x4000, $0x38;
	[tilespmem:$0x18880] =	vst v63  }
0xd8: {  	s0 =	simm.s32 @!p0 $0x2  }
0xd9: {  	_ =	swait.ge @!p0 [sflag:s0], $0x4000  }
0xda: {  	[sflag:s0] =	ssyncset.done @!p0 $0x0  }
0xdb: {  	s19 =	sshra.s32 s15, $0x2;
	[sflag:s0] =	ssyncadd.s32 @!p0 $0xFFFFC000  }
0xdc: {  	v1 =	vld [tilespmem:s19+$0xFC1F]  }
0xdd: {  	v2 =	vld [tilespmem:s19+$0xC25F]  }
0xde: {  	v3 =	vld [tilespmem:s19+$0xCA9F]  }
0xdf: {  	v4 =	vld [tilespmem:s19+$0xD2DF]  }
0xe0: {  	s18 =	simm.s32 $0x0;
	v5 =	vld [tilespmem:s19+$0xDB1F]  }
0xe1: {  	v6 =	vld [tilespmem:s19+$0xE35F];
	[tilespmem:s18+$0x4380] =	vst v1  }
0xe2: {  	[tilespmem:s18+$0x4000] =	vst v2;
	v2 =	vld [tilespmem:s19+$0xEB9F]  }
0xe3: {  	[tilespmem:s18+$0x4080] =	vst v3;
	v3 =	vld [tilespmem:s19+$0xF3DF]  }
0xe4: {  	[tilespmem:s18+$0x4100] =	vst v4;
	v1 =	vld [tilespmem:s19+$0xFC2F]  }
0xe5: {  	[tilespmem:s18+$0x4180] =	vst v5;
	v4 =	vld [tilespmem:s19+$0xC26F]  }
0xe6: {  	[tilespmem:s18+$0x4200] =	vst v6;
	v5 =	vld [tilespmem:s19+$0xCAAF]  }
0xe7: {  	v6 =	vld [tilespmem:s19+$0xD2EF];
	[tilespmem:s18+$0x4280] =	vst v2  }
0xe8: {  	v2 =	vld [tilespmem:s19+$0xDB2F];
	[tilespmem:s18+$0x4300] =	vst v3  }
0xe9: {  	v3 =	vld [tilespmem:s19+$0xE36F];
	[tilespmem:s18+$0x4390] =	vst v1  }
0xea: {  	[tilespmem:s18+$0x4010] =	vst v4;
	v4 =	vld [tilespmem:s19+$0xEBAF]  }
0xeb: {  	[tilespmem:s18+$0x4090] =	vst v5;
	v1 =	vld [tilespmem:s19+$0xFC3F]  }
0xec: {  	[tilespmem:s18+$0x4110] =	vst v6;
	v5 =	vld [tilespmem:s19+$0xF3EF]  }
0xed: {  	v6 =	vld [tilespmem:s19+$0xC27F];
	[tilespmem:s18+$0x4190] =	vst v2  }
0xee: {  	v2 =	vld [tilespmem:s19+$0xCABF];
	[tilespmem:s18+$0x4210] =	vst v3  }
0xef: {  	v3 =	vld [tilespmem:s19+$0xD2FF];
	[tilespmem:s18+$0x4290] =	vst v4  }
0xf0: {  	v4 =	vld [tilespmem:s19+$0xDB3F];
	[tilespmem:s18+$0x43A0] =	vst v1  }
0xf1: {  	[tilespmem:s18+$0x4310] =	vst v5;
	v1 =	vld [tilespmem:s19+$0xFC4F]  }
0xf2: {  	v5 =	vld [tilespmem:s19+$0xE37F];
	[tilespmem:s18+$0x4020] =	vst v6  }
0xf3: {  	v6 =	vld [tilespmem:s19+$0xEBBF];
	[tilespmem:s18+$0x40A0] =	vst v2  }
0xf4: {  	[tilespmem:s18+$0x4120] =	vst v3;
	v2 =	vld [tilespmem:s19+$0xF3FF]  }
0xf5: {  	v3 =	vld [tilespmem:s19+$0xC28F];
	[tilespmem:s18+$0x41A0] =	vst v4  }
0xf6: {  	v4 =	vld [tilespmem:s19+$0xCACF];
	[tilespmem:s18+$0x43B0] =	vst v1  }
0xf7: {  	[tilespmem:s18+$0x4220] =	vst v5;
	v1 =	vld [tilespmem:s19+$0xFC5F]  }
0xf8: {  	v5 =	vld [tilespmem:s19+$0xD30F];
	[tilespmem:s18+$0x42A0] =	vst v6  }
0xf9: {  	v6 =	vld [tilespmem:s19+$0xDB4F];
	[tilespmem:s18+$0x4320] =	vst v2  }
0xfa: {  	[tilespmem:s18+$0x4030] =	vst v3;
	v2 =	vld [tilespmem:s19+$0xE38F]  }
0xfb: {  	v3 =	vld [tilespmem:s19+$0xEBCF];
	[tilespmem:s18+$0x40B0] =	vst v4  }
0xfc: {  	v4 =	vld [tilespmem:s19+$0xF40F];
	[tilespmem:s18+$0x43C0] =	vst v1  }
0xfd: {  	[tilespmem:s18+$0x4130] =	vst v5;
	v1 =	vld [tilespmem:s19+$0xFC6F]  }
0xfe: {  	v5 =	vld [tilespmem:s19+$0xC29F];
	[tilespmem:s18+$0x41B0] =	vst v6  }
0xff: {  	v6 =	vld [tilespmem:s19+$0xCADF];
	[tilespmem:s18+$0x4230] =	vst v2  }
0x100: {  	v2 =	vld [tilespmem:s19+$0xD31F];
	[tilespmem:s18+$0x42B0] =	vst v3  }
0x101: {  	v3 =	vld [tilespmem:s19+$0xDB5F];
	[tilespmem:s18+$0x4330] =	vst v4  }
0x102: {  	v4 =	vld [tilespmem:s19+$0xE39F];
	[tilespmem:s18+$0x43D0] =	vst v1  }
0x103: {  	[tilespmem:s18+$0x4040] =	vst v5;
	v1 =	vld [tilespmem:s19+$0xFC7F]  }
0x104: {  	v5 =	vld [tilespmem:s19+$0xEBDF];
	[tilespmem:s18+$0x40C0] =	vst v6  }
0x105: {  	v6 =	vld [tilespmem:s19+$0xF41F];
	[tilespmem:s18+$0x4140] =	vst v2  }
0x106: {  	v2 =	vld [tilespmem:s19+$0xC2AF];
	[tilespmem:s18+$0x41C0] =	vst v3  }
0x107: {  	v3 =	vld [tilespmem:s19+$0xCAEF];
	[tilespmem:s18+$0x4240] =	vst v4  }
0x108: {  	v4 =	vld [tilespmem:s19+$0xD32F];
	[tilespmem:s18+$0x43E0] =	vst v1  }
0x109: {  	[tilespmem:s18+$0x42C0] =	vst v5;
	v1 =	vld [tilespmem:s19+$0xFC8F]  }
0x10a: {  	v5 =	vld [tilespmem:s19+$0xDB6F];
	[tilespmem:s18+$0x4340] =	vst v6  }
0x10b: {  	v6 =	vld [tilespmem:s19+$0xE3AF];
	[tilespmem:s18+$0x4050] =	vst v2  }
0x10c: {  	[tilespmem:s18+$0x40D0] =	vst v3;
	v2 =	vld [tilespmem:s19+$0xF42F]  }
0x10d: {  	v3 =	vld [tilespmem:s19+$0xC2BF];
	[tilespmem:s18+$0x4150] =	vst v4  }
0x10e: {  	[tilespmem:s18+$0x43F0] =	vst v1;
	v1 =	vld [tilespmem:s19+$0xEBEF]  }
0x10f: {  	v4 =	vld [tilespmem:s19+$0xCAFF];
	[tilespmem:s18+$0x41D0] =	vst v5  }
0x110: {  	v5 =	vld [tilespmem:s19+$0xD33F];
	[tilespmem:s18+$0x4250] =	vst v6  }
0x111: {  	v6 =	vld [tilespmem:s19+$0xDB7F];
	[tilespmem:s18+$0x4350] =	vst v2  }
0x112: {  	v7 =	vld [tilespmem:s19+$0xE3BF];
	[tilespmem:s18+$0x4060] =	vst v3  }
0x113: {  	v8 =	vld [tilespmem:s19+$0xF43F];
	[tilespmem:s18+$0x42D0] =	vst v1  }
0x114: {  	[tilespmem:s18+$0x40E0] =	vst v4;
	v3 =	vld [tilespmem:s19+$0xEBFF]  }
0x115: {  	v9 =	vld [tilespmem:s19+$0xC2CF];
	[tilespmem:s18+$0x4160] =	vst v5  }
0x116: {  	v4 =	vld [tilespmem:s19+$0xCB0F];
	[tilespmem:s18+$0x41E0] =	vst v6  }
0x117: {  	[tilespmem:s18+$0x4260] =	vst v7;
	v1 =	vld [tilespmem:s19+$0xD34F]  }
0x118: {  	v2 =	vld [tilespmem:s19+$0xDB8F];
	[tilespmem:s18+$0x4360] =	vst v8  }
0x119: {  	[tilespmem:s18+$0x42E0] =	vst v3;
	v3 =	vld [tilespmem:s19+$0xE3CF]  }
0x11a: {  	s20 =	simm.s32 $0x0;
	s21 =	simm.s32 $0x0;
	s22 =	sadd.s32 $0x200, s15;
	[tilespmem:s18+$0x4070] =	vst v9;
	v5 =	vld [tilespmem:s19+$0xEC0F]  }
.LBB2_7:
0x11b: {  	s21 =	sadd.s32 $0x8, s21;
	[tilespmem:s18+$0x40F0] =	vst v4;
	v4 =	vld [tilespmem:s19+$0xF44F];
	s19 =	sshra.s32 s22, $0x2  }
0x11c: {  	v6 =	vld [tilespmem:s19+$0xFC1F];
	p0 =	slt.u32 s21, $0x78;
	[tilespmem:s18+$0x4170] =	vst v1  }
0x11d: {  	v1 =	vld [tilespmem:s19+$0xC25F];
	[tilespmem:s18+$0x41F0] =	vst v2  }
0x11e: {  	v2 =	vld [tilespmem:s19+$0xCA9F];
	[tilespmem:s18+$0x4270] =	vst v3  }
0x11f: {  	s20 =	sadd.s32 $0x1000, s20;
	v3 =	vld [tilespmem:s19+$0xD2DF];
	[tilespmem:s18+$0x42F0] =	vst v5  }
0x120: {  	v5 =	vld [tilespmem:s19+$0xDB1F];
	[tilespmem:s18+$0x4370] =	vst v4;
	s18 =	sshra.s32 s20, $0x2  }
0x121: {  	v4 =	vld [tilespmem:s19+$0xE35F];
	[tilespmem:s18+$0x4380] =	vst v6  }
0x122: {  	[tilespmem:s18+$0x4000] =	vst v1;
	v1 =	vld [tilespmem:s19+$0xFC2F]  }
0x123: {  	[tilespmem:s18+$0x4080] =	vst v2;
	v2 =	vld [tilespmem:s19+$0xEB9F]  }
0x124: {  	[tilespmem:s18+$0x4100] =	vst v3;
	v3 =	vld [tilespmem:s19+$0xF3DF]  }
0x125: {  	v6 =	vld [tilespmem:s19+$0xC26F];
	[tilespmem:s18+$0x4180] =	vst v5  }
0x126: {  	v5 =	vld [tilespmem:s19+$0xCAAF];
	[tilespmem:s18+$0x4200] =	vst v4  }
0x127: {  	v4 =	vld [tilespmem:s19+$0xD2EF];
	[tilespmem:s18+$0x4390] =	vst v1  }
0x128: {  	[tilespmem:s18+$0x4280] =	vst v2;
	v1 =	vld [tilespmem:s19+$0xFC3F]  }
0x129: {  	v2 =	vld [tilespmem:s19+$0xDB2F];
	[tilespmem:s18+$0x4300] =	vst v3  }
0x12a: {  	[tilespmem:s18+$0x4010] =	vst v6;
	v3 =	vld [tilespmem:s19+$0xE36F]  }
0x12b: {  	[tilespmem:s18+$0x4090] =	vst v5;
	v5 =	vld [tilespmem:s19+$0xEBAF]  }
0x12c: {  	[tilespmem:s18+$0x4110] =	vst v4;
	v4 =	vld [tilespmem:s19+$0xF3EF]  }
0x12d: {  	v6 =	vld [tilespmem:s19+$0xC27F];
	[tilespmem:s18+$0x43A0] =	vst v1  }
0x12e: {  	[tilespmem:s18+$0x4190] =	vst v2;
	v1 =	vld [tilespmem:s19+$0xFC4F]  }
0x12f: {  	v2 =	vld [tilespmem:s19+$0xCABF];
	[tilespmem:s18+$0x4210] =	vst v3  }
0x130: {  	v3 =	vld [tilespmem:s19+$0xD2FF];
	[tilespmem:s18+$0x4290] =	vst v5  }
0x131: {  	v5 =	vld [tilespmem:s19+$0xDB3F];
	[tilespmem:s18+$0x4310] =	vst v4  }
0x132: {  	[tilespmem:s18+$0x4020] =	vst v6;
	v4 =	vld [tilespmem:s19+$0xE37F]  }
0x133: {  	v6 =	vld [tilespmem:s19+$0xEBBF];
	[tilespmem:s18+$0x43B0] =	vst v1  }
0x134: {  	[tilespmem:s18+$0x40A0] =	vst v2;
	v1 =	vld [tilespmem:s19+$0xFC5F]  }
0x135: {  	[tilespmem:s18+$0x4120] =	vst v3;
	v2 =	vld [tilespmem:s19+$0xF3FF]  }
0x136: {  	v3 =	vld [tilespmem:s19+$0xC28F];
	[tilespmem:s18+$0x41A0] =	vst v5  }
0x137: {  	v5 =	vld [tilespmem:s19+$0xCACF];
	[tilespmem:s18+$0x4220] =	vst v4  }
0x138: {  	v4 =	vld [tilespmem:s19+$0xD30F];
	[tilespmem:s18+$0x42A0] =	vst v6  }
0x139: {  	v6 =	vld [tilespmem:s19+$0xDB4F];
	[tilespmem:s18+$0x43C0] =	vst v1  }
0x13a: {  	[tilespmem:s18+$0x4320] =	vst v2;
	v1 =	vld [tilespmem:s19+$0xFC6F]  }
0x13b: {  	[tilespmem:s18+$0x4030] =	vst v3;
	v2 =	vld [tilespmem:s19+$0xE38F]  }
0x13c: {  	[tilespmem:s18+$0x40B0] =	vst v5;
	v3 =	vld [tilespmem:s19+$0xEBCF]  }
0x13d: {  	[tilespmem:s18+$0x4130] =	vst v4;
	v4 =	vld [tilespmem:s19+$0xF40F]  }
0x13e: {  	v5 =	vld [tilespmem:s19+$0xC29F];
	[tilespmem:s18+$0x41B0] =	vst v6  }
0x13f: {  	v6 =	vld [tilespmem:s19+$0xCADF];
	[tilespmem:s18+$0x43D0] =	vst v1  }
0x140: {  	[tilespmem:s18+$0x4230] =	vst v2;
	v1 =	vld [tilespmem:s19+$0xFC7F]  }
0x141: {  	v2 =	vld [tilespmem:s19+$0xD31F];
	[tilespmem:s18+$0x42B0] =	vst v3  }
0x142: {  	v3 =	vld [tilespmem:s19+$0xDB5F];
	[tilespmem:s18+$0x4330] =	vst v4  }
0x143: {  	[tilespmem:s18+$0x4040] =	vst v5;
	v4 =	vld [tilespmem:s19+$0xE39F]  }
0x144: {  	[tilespmem:s18+$0x40C0] =	vst v6;
	v5 =	vld [tilespmem:s19+$0xEBDF]  }
0x145: {  	v6 =	vld [tilespmem:s19+$0xF41F];
	[tilespmem:s18+$0x43E0] =	vst v1  }
0x146: {  	[tilespmem:s18+$0x4140] =	vst v2;
	v1 =	vld [tilespmem:s19+$0xFC8F]  }
0x147: {  	v2 =	vld [tilespmem:s19+$0xC2AF];
	[tilespmem:s18+$0x41C0] =	vst v3  }
0x148: {  	v3 =	vld [tilespmem:s19+$0xCAEF];
	[tilespmem:s18+$0x4240] =	vst v4  }
0x149: {  	v4 =	vld [tilespmem:s19+$0xD32F];
	[tilespmem:s18+$0x42C0] =	vst v5  }
0x14a: {  	v5 =	vld [tilespmem:s19+$0xDB6F];
	[tilespmem:s18+$0x4340] =	vst v6  }
0x14b: {  	v6 =	vld [tilespmem:s19+$0xE3AF];
	[tilespmem:s18+$0x43F0] =	vst v1  }
0x14c: {  	[tilespmem:s18+$0x4050] =	vst v2;
	v1 =	vld [tilespmem:s19+$0xEBEF]  }
0x14d: {  	[tilespmem:s18+$0x40D0] =	vst v3;
	v2 =	vld [tilespmem:s19+$0xF42F]  }
0x14e: {  	v3 =	vld [tilespmem:s19+$0xC2BF];
	[tilespmem:s18+$0x4150] =	vst v4  }
0x14f: {  	v4 =	vld [tilespmem:s19+$0xCAFF];
	[tilespmem:s18+$0x41D0] =	vst v5  }
0x150: {  	v5 =	vld [tilespmem:s19+$0xD33F];
	[tilespmem:s18+$0x4250] =	vst v6  }
0x151: {  	v6 =	vld [tilespmem:s19+$0xDB7F];
	[tilespmem:s18+$0x42D0] =	vst v1  }
0x152: {  	v7 =	vld [tilespmem:s19+$0xE3BF];
	[tilespmem:s18+$0x4350] =	vst v2  }
0x153: {  	[tilespmem:s18+$0x4060] =	vst v3;
	v3 =	vld [tilespmem:s19+$0xEBFF]  }
0x154: {  	[tilespmem:s18+$0x40E0] =	vst v4;
	v8 =	vld [tilespmem:s19+$0xF43F]  }
0x155: {  	v9 =	vld [tilespmem:s19+$0xC2CF];
	[tilespmem:s18+$0x4160] =	vst v5  }
.Ltmp2:
0x156: {  	v4 =	vld [tilespmem:s19+$0xCB0F];
	[tilespmem:s18+$0x41E0] =	vst v6;
	(pc) =	sbr.rel @p0 .LBB2_7-.Ltmp2, $4  }
0x157: {  	v1 =	vld [tilespmem:s19+$0xD34F];
	[tilespmem:s18+$0x4260] =	vst v7  }
0x158: {  	v2 =	vld [tilespmem:s19+$0xDB8F];
	[tilespmem:s18+$0x42E0] =	vst v3  }
0x159: {  	v3 =	vld [tilespmem:s19+$0xE3CF];
	[tilespmem:s18+$0x4360] =	vst v8  }
0x15a: {  	s22 =	sadd.s32 $0x200, s22;
	[tilespmem:s18+$0x4070] =	vst v9;
	v5 =	vld [tilespmem:s19+$0xEC0F]  }
0x15b: {  	[tilespmem:s18+$0x40F0] =	vst v4;
	v4 =	vld [tilespmem:s19+$0xF44F]  }
0x15c: {  	[tilespmem:s18+$0x4170] =	vst v1  }
0x15d: {  	[tilespmem:s18+$0x41F0] =	vst v2  }
0x15e: {  	[tilespmem:s18+$0x4270] =	vst v3  }
0x15f: {  	[tilespmem:s18+$0x42F0] =	vst v5  }
0x160: {  	s0 =	sadd.s32 s17, s6;
	[tilespmem:s18+$0x4370] =	vst v4;
	s18 =	simm.s32 $0x0  }
0x161: {  	[hbm4b:s0+s18] =	stream.linear.scatter [tilespmem:s11], [sflag:$0x2], $0x4000, $0x38;
	[tilespmem:$0x18880] =	vst v63  }
0x162: {  	_ =	swait.ge [sflag:s12], $0x4000  }
0x163: {  	[sflag:s12] =	ssyncset.done $0x0  }
0x164: {  	s20 =	sshra.s32 s15, $0x2;
	[sflag:s12] =	ssyncadd.s32 $0xFFFFC000  }
0x165: {  	v1 =	vld [tilespmem:s20+$0x13E1F]  }
0x166: {  	v2 =	vld [tilespmem:s20+$0x1045F]  }
0x167: {  	v3 =	vld [tilespmem:s20+$0x10C9F]  }
0x168: {  	v4 =	vld [tilespmem:s20+$0x114DF]  }
0x169: {  	s19 =	simm.s32 $0x0;
	v5 =	vld [tilespmem:s20+$0x11D1F]  }
0x16a: {  	v6 =	vld [tilespmem:s20+$0x1255F];
	[tilespmem:s19+$0x380] =	vst v1  }
0x16b: {  	[tilespmem:s19+$0x0] =	vst v2;
	v2 =	vld [tilespmem:s20+$0x12D9F]  }
0x16c: {  	[tilespmem:s19+$0x80] =	vst v3;
	v3 =	vld [tilespmem:s20+$0x135DF]  }
0x16d: {  	[tilespmem:s19+$0x100] =	vst v4;
	v1 =	vld [tilespmem:s20+$0x13E2F]  }
0x16e: {  	[tilespmem:s19+$0x180] =	vst v5;
	v4 =	vld [tilespmem:s20+$0x1046F]  }
0x16f: {  	[tilespmem:s19+$0x200] =	vst v6;
	v5 =	vld [tilespmem:s20+$0x10CAF]  }
0x170: {  	v6 =	vld [tilespmem:s20+$0x114EF];
	[tilespmem:s19+$0x280] =	vst v2  }
0x171: {  	v2 =	vld [tilespmem:s20+$0x11D2F];
	[tilespmem:s19+$0x300] =	vst v3  }
0x172: {  	v3 =	vld [tilespmem:s20+$0x1256F];
	[tilespmem:s19+$0x390] =	vst v1  }
0x173: {  	[tilespmem:s19+$0x10] =	vst v4;
	v4 =	vld [tilespmem:s20+$0x12DAF]  }
0x174: {  	[tilespmem:s19+$0x90] =	vst v5;
	v1 =	vld [tilespmem:s20+$0x13E3F]  }
0x175: {  	[tilespmem:s19+$0x110] =	vst v6;
	v5 =	vld [tilespmem:s20+$0x135EF]  }
0x176: {  	v6 =	vld [tilespmem:s20+$0x1047F];
	[tilespmem:s19+$0x190] =	vst v2  }
0x177: {  	v2 =	vld [tilespmem:s20+$0x10CBF];
	[tilespmem:s19+$0x210] =	vst v3  }
0x178: {  	v3 =	vld [tilespmem:s20+$0x114FF];
	[tilespmem:s19+$0x290] =	vst v4  }
0x179: {  	v4 =	vld [tilespmem:s20+$0x11D3F];
	[tilespmem:s19+$0x3A0] =	vst v1  }
0x17a: {  	[tilespmem:s19+$0x310] =	vst v5;
	v1 =	vld [tilespmem:s20+$0x13E4F]  }
0x17b: {  	v5 =	vld [tilespmem:s20+$0x1257F];
	[tilespmem:s19+$0x20] =	vst v6  }
0x17c: {  	v6 =	vld [tilespmem:s20+$0x12DBF];
	[tilespmem:s19+$0xA0] =	vst v2  }
0x17d: {  	[tilespmem:s19+$0x120] =	vst v3;
	v2 =	vld [tilespmem:s20+$0x135FF]  }
0x17e: {  	v3 =	vld [tilespmem:s20+$0x1048F];
	[tilespmem:s19+$0x1A0] =	vst v4  }
0x17f: {  	v4 =	vld [tilespmem:s20+$0x10CCF];
	[tilespmem:s19+$0x3B0] =	vst v1  }
0x180: {  	[tilespmem:s19+$0x220] =	vst v5;
	v1 =	vld [tilespmem:s20+$0x13E5F]  }
0x181: {  	v5 =	vld [tilespmem:s20+$0x1150F];
	[tilespmem:s19+$0x2A0] =	vst v6  }
0x182: {  	v6 =	vld [tilespmem:s20+$0x11D4F];
	[tilespmem:s19+$0x320] =	vst v2  }
0x183: {  	[tilespmem:s19+$0x30] =	vst v3;
	v2 =	vld [tilespmem:s20+$0x1258F]  }
0x184: {  	v3 =	vld [tilespmem:s20+$0x12DCF];
	[tilespmem:s19+$0xB0] =	vst v4  }
0x185: {  	v4 =	vld [tilespmem:s20+$0x1360F];
	[tilespmem:s19+$0x3C0] =	vst v1  }
0x186: {  	[tilespmem:s19+$0x130] =	vst v5;
	v1 =	vld [tilespmem:s20+$0x13E6F]  }
0x187: {  	v5 =	vld [tilespmem:s20+$0x1049F];
	[tilespmem:s19+$0x1B0] =	vst v6  }
0x188: {  	v6 =	vld [tilespmem:s20+$0x10CDF];
	[tilespmem:s19+$0x230] =	vst v2  }
0x189: {  	v2 =	vld [tilespmem:s20+$0x1151F];
	[tilespmem:s19+$0x2B0] =	vst v3  }
0x18a: {  	v3 =	vld [tilespmem:s20+$0x11D5F];
	[tilespmem:s19+$0x330] =	vst v4  }
0x18b: {  	v4 =	vld [tilespmem:s20+$0x1259F];
	[tilespmem:s19+$0x3D0] =	vst v1  }
0x18c: {  	[tilespmem:s19+$0x40] =	vst v5;
	v1 =	vld [tilespmem:s20+$0x13E7F]  }
0x18d: {  	v5 =	vld [tilespmem:s20+$0x12DDF];
	[tilespmem:s19+$0xC0] =	vst v6  }
0x18e: {  	v6 =	vld [tilespmem:s20+$0x1361F];
	[tilespmem:s19+$0x140] =	vst v2  }
0x18f: {  	v2 =	vld [tilespmem:s20+$0x104AF];
	[tilespmem:s19+$0x1C0] =	vst v3  }
0x190: {  	v3 =	vld [tilespmem:s20+$0x10CEF];
	[tilespmem:s19+$0x240] =	vst v4  }
0x191: {  	v4 =	vld [tilespmem:s20+$0x1152F];
	[tilespmem:s19+$0x3E0] =	vst v1  }
0x192: {  	[tilespmem:s19+$0x2C0] =	vst v5;
	v1 =	vld [tilespmem:s20+$0x13E8F]  }
0x193: {  	v5 =	vld [tilespmem:s20+$0x11D6F];
	[tilespmem:s19+$0x340] =	vst v6  }
0x194: {  	v6 =	vld [tilespmem:s20+$0x125AF];
	[tilespmem:s19+$0x50] =	vst v2  }
0x195: {  	[tilespmem:s19+$0xD0] =	vst v3;
	v2 =	vld [tilespmem:s20+$0x1362F]  }
0x196: {  	v3 =	vld [tilespmem:s20+$0x104BF];
	[tilespmem:s19+$0x150] =	vst v4  }
0x197: {  	[tilespmem:s19+$0x3F0] =	vst v1;
	v1 =	vld [tilespmem:s20+$0x12DEF]  }
0x198: {  	v4 =	vld [tilespmem:s20+$0x10CFF];
	[tilespmem:s19+$0x1D0] =	vst v5  }
0x199: {  	v5 =	vld [tilespmem:s20+$0x1153F];
	[tilespmem:s19+$0x250] =	vst v6  }
0x19a: {  	v6 =	vld [tilespmem:s20+$0x11D7F];
	[tilespmem:s19+$0x350] =	vst v2  }
0x19b: {  	v7 =	vld [tilespmem:s20+$0x125BF];
	[tilespmem:s19+$0x60] =	vst v3  }
0x19c: {  	v8 =	vld [tilespmem:s20+$0x1363F];
	[tilespmem:s19+$0x2D0] =	vst v1  }
0x19d: {  	[tilespmem:s19+$0xE0] =	vst v4;
	v3 =	vld [tilespmem:s20+$0x12DFF]  }
0x19e: {  	v9 =	vld [tilespmem:s20+$0x104CF];
	[tilespmem:s19+$0x160] =	vst v5  }
0x19f: {  	v4 =	vld [tilespmem:s20+$0x10D0F];
	[tilespmem:s19+$0x1E0] =	vst v6  }
0x1a0: {  	[tilespmem:s19+$0x260] =	vst v7;
	v1 =	vld [tilespmem:s20+$0x1154F]  }
0x1a1: {  	v2 =	vld [tilespmem:s20+$0x11D8F];
	[tilespmem:s19+$0x360] =	vst v8  }
0x1a2: {  	[tilespmem:s19+$0x2E0] =	vst v3;
	v3 =	vld [tilespmem:s20+$0x125CF]  }
0x1a3: {  	s21 =	simm.s32 $0x0;
	s22 =	sadd.s32 $0x200, s15;
	[tilespmem:s19+$0x70] =	vst v9;
	v5 =	vld [tilespmem:s20+$0x12E0F]  }
.LBB2_9:
0x1a4: {  	s21 =	sadd.s32 $0x8, s21;
	[tilespmem:s19+$0xF0] =	vst v4;
	v4 =	vld [tilespmem:s20+$0x1364F];
	s20 =	sshra.s32 s22, $0x2  }
0x1a5: {  	v6 =	vld [tilespmem:s20+$0x13E1F];
	p0 =	slt.u32 s21, $0x78;
	[tilespmem:s19+$0x170] =	vst v1  }
0x1a6: {  	v1 =	vld [tilespmem:s20+$0x1045F];
	[tilespmem:s19+$0x1F0] =	vst v2  }
0x1a7: {  	v2 =	vld [tilespmem:s20+$0x10C9F];
	[tilespmem:s19+$0x270] =	vst v3  }
0x1a8: {  	s18 =	sadd.s32 $0x1000, s18;
	v3 =	vld [tilespmem:s20+$0x114DF];
	[tilespmem:s19+$0x2F0] =	vst v5  }
0x1a9: {  	v5 =	vld [tilespmem:s20+$0x11D1F];
	[tilespmem:s19+$0x370] =	vst v4;
	s19 =	sshra.s32 s18, $0x2  }
0x1aa: {  	v4 =	vld [tilespmem:s20+$0x1255F];
	[tilespmem:s19+$0x380] =	vst v6  }
0x1ab: {  	[tilespmem:s19+$0x0] =	vst v1;
	v1 =	vld [tilespmem:s20+$0x13E2F]  }
0x1ac: {  	[tilespmem:s19+$0x80] =	vst v2;
	v2 =	vld [tilespmem:s20+$0x12D9F]  }
0x1ad: {  	[tilespmem:s19+$0x100] =	vst v3;
	v3 =	vld [tilespmem:s20+$0x135DF]  }
0x1ae: {  	v6 =	vld [tilespmem:s20+$0x1046F];
	[tilespmem:s19+$0x180] =	vst v5  }
0x1af: {  	v5 =	vld [tilespmem:s20+$0x10CAF];
	[tilespmem:s19+$0x200] =	vst v4  }
0x1b0: {  	v4 =	vld [tilespmem:s20+$0x114EF];
	[tilespmem:s19+$0x390] =	vst v1  }
0x1b1: {  	[tilespmem:s19+$0x280] =	vst v2;
	v1 =	vld [tilespmem:s20+$0x13E3F]  }
0x1b2: {  	v2 =	vld [tilespmem:s20+$0x11D2F];
	[tilespmem:s19+$0x300] =	vst v3  }
0x1b3: {  	[tilespmem:s19+$0x10] =	vst v6;
	v3 =	vld [tilespmem:s20+$0x1256F]  }
0x1b4: {  	[tilespmem:s19+$0x90] =	vst v5;
	v5 =	vld [tilespmem:s20+$0x12DAF]  }
0x1b5: {  	[tilespmem:s19+$0x110] =	vst v4;
	v4 =	vld [tilespmem:s20+$0x135EF]  }
0x1b6: {  	v6 =	vld [tilespmem:s20+$0x1047F];
	[tilespmem:s19+$0x3A0] =	vst v1  }
0x1b7: {  	[tilespmem:s19+$0x190] =	vst v2;
	v1 =	vld [tilespmem:s20+$0x13E4F]  }
0x1b8: {  	v2 =	vld [tilespmem:s20+$0x10CBF];
	[tilespmem:s19+$0x210] =	vst v3  }
0x1b9: {  	v3 =	vld [tilespmem:s20+$0x114FF];
	[tilespmem:s19+$0x290] =	vst v5  }
0x1ba: {  	v5 =	vld [tilespmem:s20+$0x11D3F];
	[tilespmem:s19+$0x310] =	vst v4  }
0x1bb: {  	[tilespmem:s19+$0x20] =	vst v6;
	v4 =	vld [tilespmem:s20+$0x1257F]  }
0x1bc: {  	v6 =	vld [tilespmem:s20+$0x12DBF];
	[tilespmem:s19+$0x3B0] =	vst v1  }
0x1bd: {  	[tilespmem:s19+$0xA0] =	vst v2;
	v1 =	vld [tilespmem:s20+$0x13E5F]  }
0x1be: {  	[tilespmem:s19+$0x120] =	vst v3;
	v2 =	vld [tilespmem:s20+$0x135FF]  }
0x1bf: {  	v3 =	vld [tilespmem:s20+$0x1048F];
	[tilespmem:s19+$0x1A0] =	vst v5  }
0x1c0: {  	v5 =	vld [tilespmem:s20+$0x10CCF];
	[tilespmem:s19+$0x220] =	vst v4  }
0x1c1: {  	v4 =	vld [tilespmem:s20+$0x1150F];
	[tilespmem:s19+$0x2A0] =	vst v6  }
0x1c2: {  	v6 =	vld [tilespmem:s20+$0x11D4F];
	[tilespmem:s19+$0x3C0] =	vst v1  }
0x1c3: {  	[tilespmem:s19+$0x320] =	vst v2;
	v1 =	vld [tilespmem:s20+$0x13E6F]  }
0x1c4: {  	[tilespmem:s19+$0x30] =	vst v3;
	v2 =	vld [tilespmem:s20+$0x1258F]  }
0x1c5: {  	[tilespmem:s19+$0xB0] =	vst v5;
	v3 =	vld [tilespmem:s20+$0x12DCF]  }
0x1c6: {  	[tilespmem:s19+$0x130] =	vst v4;
	v4 =	vld [tilespmem:s20+$0x1360F]  }
0x1c7: {  	v5 =	vld [tilespmem:s20+$0x1049F];
	[tilespmem:s19+$0x1B0] =	vst v6  }
0x1c8: {  	v6 =	vld [tilespmem:s20+$0x10CDF];
	[tilespmem:s19+$0x3D0] =	vst v1  }
0x1c9: {  	[tilespmem:s19+$0x230] =	vst v2;
	v1 =	vld [tilespmem:s20+$0x13E7F]  }
0x1ca: {  	v2 =	vld [tilespmem:s20+$0x1151F];
	[tilespmem:s19+$0x2B0] =	vst v3  }
0x1cb: {  	v3 =	vld [tilespmem:s20+$0x11D5F];
	[tilespmem:s19+$0x330] =	vst v4  }
0x1cc: {  	[tilespmem:s19+$0x40] =	vst v5;
	v4 =	vld [tilespmem:s20+$0x1259F]  }
0x1cd: {  	[tilespmem:s19+$0xC0] =	vst v6;
	v5 =	vld [tilespmem:s20+$0x12DDF]  }
0x1ce: {  	v6 =	vld [tilespmem:s20+$0x1361F];
	[tilespmem:s19+$0x3E0] =	vst v1  }
0x1cf: {  	[tilespmem:s19+$0x140] =	vst v2;
	v1 =	vld [tilespmem:s20+$0x13E8F]  }
0x1d0: {  	v2 =	vld [tilespmem:s20+$0x104AF];
	[tilespmem:s19+$0x1C0] =	vst v3  }
0x1d1: {  	v3 =	vld [tilespmem:s20+$0x10CEF];
	[tilespmem:s19+$0x240] =	vst v4  }
0x1d2: {  	v4 =	vld [tilespmem:s20+$0x1152F];
	[tilespmem:s19+$0x2C0] =	vst v5  }
0x1d3: {  	v5 =	vld [tilespmem:s20+$0x11D6F];
	[tilespmem:s19+$0x340] =	vst v6  }
0x1d4: {  	v6 =	vld [tilespmem:s20+$0x125AF];
	[tilespmem:s19+$0x3F0] =	vst v1  }
0x1d5: {  	[tilespmem:s19+$0x50] =	vst v2;
	v1 =	vld [tilespmem:s20+$0x12DEF]  }
0x1d6: {  	[tilespmem:s19+$0xD0] =	vst v3;
	v2 =	vld [tilespmem:s20+$0x1362F]  }
0x1d7: {  	v3 =	vld [tilespmem:s20+$0x104BF];
	[tilespmem:s19+$0x150] =	vst v4  }
0x1d8: {  	v4 =	vld [tilespmem:s20+$0x10CFF];
	[tilespmem:s19+$0x1D0] =	vst v5  }
0x1d9: {  	v5 =	vld [tilespmem:s20+$0x1153F];
	[tilespmem:s19+$0x250] =	vst v6  }
0x1da: {  	v6 =	vld [tilespmem:s20+$0x11D7F];
	[tilespmem:s19+$0x2D0] =	vst v1  }
0x1db: {  	v7 =	vld [tilespmem:s20+$0x125BF];
	[tilespmem:s19+$0x350] =	vst v2  }
0x1dc: {  	[tilespmem:s19+$0x60] =	vst v3;
	v3 =	vld [tilespmem:s20+$0x12DFF]  }
0x1dd: {  	[tilespmem:s19+$0xE0] =	vst v4;
	v8 =	vld [tilespmem:s20+$0x1363F]  }
0x1de: {  	v9 =	vld [tilespmem:s20+$0x104CF];
	[tilespmem:s19+$0x160] =	vst v5  }
.Ltmp3:
0x1df: {  	v4 =	vld [tilespmem:s20+$0x10D0F];
	[tilespmem:s19+$0x1E0] =	vst v6;
	(pc) =	sbr.rel @p0 .LBB2_9-.Ltmp3, $4  }
0x1e0: {  	v1 =	vld [tilespmem:s20+$0x1154F];
	[tilespmem:s19+$0x260] =	vst v7  }
0x1e1: {  	v2 =	vld [tilespmem:s20+$0x11D8F];
	[tilespmem:s19+$0x2E0] =	vst v3  }
0x1e2: {  	v3 =	vld [tilespmem:s20+$0x125CF];
	[tilespmem:s19+$0x360] =	vst v8  }
0x1e3: {  	s22 =	sadd.s32 $0x200, s22;
	[tilespmem:s19+$0x70] =	vst v9;
	v5 =	vld [tilespmem:s20+$0x12E0F]  }
0x1e4: {  	[tilespmem:s19+$0xF0] =	vst v4;
	v4 =	vld [tilespmem:s20+$0x1364F]  }
0x1e5: {  	[tilespmem:s19+$0x170] =	vst v1  }
0x1e6: {  	[tilespmem:s19+$0x1F0] =	vst v2  }
0x1e7: {  	[tilespmem:s19+$0x270] =	vst v3  }
0x1e8: {  	[tilespmem:s19+$0x2F0] =	vst v5  }
0x1e9: {  	s0 =	sadd.s32 s17, s7;
	s18 =	simm.s32 $0x0;
	[tilespmem:s19+$0x370] =	vst v4  }
0x1ea: {  	[hbm4b:s0+s18] =	stream.linear.scatter [tilespmem:s18], [sflag:$0x1], $0x4000, $0x38;
	[tilespmem:$0x18880] =	vst v63  }
0x1eb: {  	_ =	swait.ge [sflag:s13], $0x4000  }
0x1ec: {  	[sflag:s13] =	ssyncset.done $0x0  }
0x1ed: {  	s20 =	sshra.s32 s15, $0x2;
	[sflag:s13] =	ssyncadd.s32 $0xFFFFC000  }
0x1ee: {  	v1 =	vld [tilespmem:s20+$0x1801F]  }
0x1ef: {  	v2 =	vld [tilespmem:s20+$0x1465F]  }
0x1f0: {  	v3 =	vld [tilespmem:s20+$0x14E9F]  }
0x1f1: {  	v4 =	vld [tilespmem:s20+$0x156DF]  }
0x1f2: {  	s19 =	simm.s32 $0x0;
	v5 =	vld [tilespmem:s20+$0x15F1F]  }
0x1f3: {  	v6 =	vld [tilespmem:s20+$0x1675F];
	[tilespmem:s19+$0x4380] =	vst v1  }
0x1f4: {  	[tilespmem:s19+$0x4000] =	vst v2;
	v2 =	vld [tilespmem:s20+$0x16F9F]  }
0x1f5: {  	[tilespmem:s19+$0x4080] =	vst v3;
	v3 =	vld [tilespmem:s20+$0x177DF]  }
0x1f6: {  	[tilespmem:s19+$0x4100] =	vst v4;
	v1 =	vld [tilespmem:s20+$0x1802F]  }
0x1f7: {  	[tilespmem:s19+$0x4180] =	vst v5;
	v4 =	vld [tilespmem:s20+$0x1466F]  }
0x1f8: {  	[tilespmem:s19+$0x4200] =	vst v6;
	v5 =	vld [tilespmem:s20+$0x14EAF]  }
0x1f9: {  	v6 =	vld [tilespmem:s20+$0x156EF];
	[tilespmem:s19+$0x4280] =	vst v2  }
0x1fa: {  	v2 =	vld [tilespmem:s20+$0x15F2F];
	[tilespmem:s19+$0x4300] =	vst v3  }
0x1fb: {  	v3 =	vld [tilespmem:s20+$0x1676F];
	[tilespmem:s19+$0x4390] =	vst v1  }
0x1fc: {  	[tilespmem:s19+$0x4010] =	vst v4;
	v4 =	vld [tilespmem:s20+$0x16FAF]  }
0x1fd: {  	[tilespmem:s19+$0x4090] =	vst v5;
	v1 =	vld [tilespmem:s20+$0x1803F]  }
0x1fe: {  	[tilespmem:s19+$0x4110] =	vst v6;
	v5 =	vld [tilespmem:s20+$0x177EF]  }
0x1ff: {  	v6 =	vld [tilespmem:s20+$0x1467F];
	[tilespmem:s19+$0x4190] =	vst v2  }
0x200: {  	v2 =	vld [tilespmem:s20+$0x14EBF];
	[tilespmem:s19+$0x4210] =	vst v3  }
0x201: {  	v3 =	vld [tilespmem:s20+$0x156FF];
	[tilespmem:s19+$0x4290] =	vst v4  }
0x202: {  	v4 =	vld [tilespmem:s20+$0x15F3F];
	[tilespmem:s19+$0x43A0] =	vst v1  }
0x203: {  	[tilespmem:s19+$0x4310] =	vst v5;
	v1 =	vld [tilespmem:s20+$0x1804F]  }
0x204: {  	v5 =	vld [tilespmem:s20+$0x1677F];
	[tilespmem:s19+$0x4020] =	vst v6  }
0x205: {  	v6 =	vld [tilespmem:s20+$0x16FBF];
	[tilespmem:s19+$0x40A0] =	vst v2  }
0x206: {  	[tilespmem:s19+$0x4120] =	vst v3;
	v2 =	vld [tilespmem:s20+$0x177FF]  }
0x207: {  	v3 =	vld [tilespmem:s20+$0x1468F];
	[tilespmem:s19+$0x41A0] =	vst v4  }
0x208: {  	v4 =	vld [tilespmem:s20+$0x14ECF];
	[tilespmem:s19+$0x43B0] =	vst v1  }
0x209: {  	[tilespmem:s19+$0x4220] =	vst v5;
	v1 =	vld [tilespmem:s20+$0x1805F]  }
0x20a: {  	v5 =	vld [tilespmem:s20+$0x1570F];
	[tilespmem:s19+$0x42A0] =	vst v6  }
0x20b: {  	v6 =	vld [tilespmem:s20+$0x15F4F];
	[tilespmem:s19+$0x4320] =	vst v2  }
0x20c: {  	[tilespmem:s19+$0x4030] =	vst v3;
	v2 =	vld [tilespmem:s20+$0x1678F]  }
0x20d: {  	v3 =	vld [tilespmem:s20+$0x16FCF];
	[tilespmem:s19+$0x40B0] =	vst v4  }
0x20e: {  	v4 =	vld [tilespmem:s20+$0x1780F];
	[tilespmem:s19+$0x43C0] =	vst v1  }
0x20f: {  	[tilespmem:s19+$0x4130] =	vst v5;
	v1 =	vld [tilespmem:s20+$0x1806F]  }
0x210: {  	v5 =	vld [tilespmem:s20+$0x1469F];
	[tilespmem:s19+$0x41B0] =	vst v6  }
0x211: {  	v6 =	vld [tilespmem:s20+$0x14EDF];
	[tilespmem:s19+$0x4230] =	vst v2  }
0x212: {  	v2 =	vld [tilespmem:s20+$0x1571F];
	[tilespmem:s19+$0x42B0] =	vst v3  }
0x213: {  	v3 =	vld [tilespmem:s20+$0x15F5F];
	[tilespmem:s19+$0x4330] =	vst v4  }
0x214: {  	v4 =	vld [tilespmem:s20+$0x1679F];
	[tilespmem:s19+$0x43D0] =	vst v1  }
0x215: {  	[tilespmem:s19+$0x4040] =	vst v5;
	v1 =	vld [tilespmem:s20+$0x1807F]  }
0x216: {  	v5 =	vld [tilespmem:s20+$0x16FDF];
	[tilespmem:s19+$0x40C0] =	vst v6  }
0x217: {  	v6 =	vld [tilespmem:s20+$0x1781F];
	[tilespmem:s19+$0x4140] =	vst v2  }
0x218: {  	v2 =	vld [tilespmem:s20+$0x146AF];
	[tilespmem:s19+$0x41C0] =	vst v3  }
0x219: {  	v3 =	vld [tilespmem:s20+$0x14EEF];
	[tilespmem:s19+$0x4240] =	vst v4  }
0x21a: {  	v4 =	vld [tilespmem:s20+$0x1572F];
	[tilespmem:s19+$0x43E0] =	vst v1  }
0x21b: {  	[tilespmem:s19+$0x42C0] =	vst v5;
	v1 =	vld [tilespmem:s20+$0x1808F]  }
0x21c: {  	v5 =	vld [tilespmem:s20+$0x15F6F];
	[tilespmem:s19+$0x4340] =	vst v6  }
0x21d: {  	v6 =	vld [tilespmem:s20+$0x167AF];
	[tilespmem:s19+$0x4050] =	vst v2  }
0x21e: {  	[tilespmem:s19+$0x40D0] =	vst v3;
	v2 =	vld [tilespmem:s20+$0x1782F]  }
0x21f: {  	v3 =	vld [tilespmem:s20+$0x146BF];
	[tilespmem:s19+$0x4150] =	vst v4  }
0x220: {  	[tilespmem:s19+$0x43F0] =	vst v1;
	v1 =	vld [tilespmem:s20+$0x16FEF]  }
0x221: {  	v4 =	vld [tilespmem:s20+$0x14EFF];
	[tilespmem:s19+$0x41D0] =	vst v5  }
0x222: {  	v5 =	vld [tilespmem:s20+$0x1573F];
	[tilespmem:s19+$0x4250] =	vst v6  }
0x223: {  	v6 =	vld [tilespmem:s20+$0x15F7F];
	[tilespmem:s19+$0x4350] =	vst v2  }
0x224: {  	v7 =	vld [tilespmem:s20+$0x167BF];
	[tilespmem:s19+$0x4060] =	vst v3  }
0x225: {  	v8 =	vld [tilespmem:s20+$0x1783F];
	[tilespmem:s19+$0x42D0] =	vst v1  }
0x226: {  	[tilespmem:s19+$0x40E0] =	vst v4;
	v3 =	vld [tilespmem:s20+$0x16FFF]  }
0x227: {  	v9 =	vld [tilespmem:s20+$0x146CF];
	[tilespmem:s19+$0x4160] =	vst v5  }
0x228: {  	v4 =	vld [tilespmem:s20+$0x14F0F];
	[tilespmem:s19+$0x41E0] =	vst v6  }
0x229: {  	[tilespmem:s19+$0x4260] =	vst v7;
	v1 =	vld [tilespmem:s20+$0x1574F]  }
0x22a: {  	v2 =	vld [tilespmem:s20+$0x15F8F];
	[tilespmem:s19+$0x4360] =	vst v8  }
0x22b: {  	[tilespmem:s19+$0x42E0] =	vst v3;
	v3 =	vld [tilespmem:s20+$0x167CF]  }
0x22c: {  	s21 =	simm.s32 $0x0;
	s22 =	sadd.s32 $0x200, s15;
	[tilespmem:s19+$0x4070] =	vst v9;
	v5 =	vld [tilespmem:s20+$0x1700F]  }
.LBB2_11:
0x22d: {  	s21 =	sadd.s32 $0x8, s21;
	[tilespmem:s19+$0x40F0] =	vst v4;
	v4 =	vld [tilespmem:s20+$0x1784F];
	s20 =	sshra.s32 s22, $0x2  }
0x22e: {  	v6 =	vld [tilespmem:s20+$0x1801F];
	p0 =	slt.u32 s21, $0x78;
	[tilespmem:s19+$0x4170] =	vst v1  }
0x22f: {  	v1 =	vld [tilespmem:s20+$0x1465F];
	[tilespmem:s19+$0x41F0] =	vst v2  }
0x230: {  	v2 =	vld [tilespmem:s20+$0x14E9F];
	[tilespmem:s19+$0x4270] =	vst v3  }
0x231: {  	s18 =	sadd.s32 $0x1000, s18;
	v3 =	vld [tilespmem:s20+$0x156DF];
	[tilespmem:s19+$0x42F0] =	vst v5  }
0x232: {  	v5 =	vld [tilespmem:s20+$0x15F1F];
	[tilespmem:s19+$0x4370] =	vst v4;
	s19 =	sshra.s32 s18, $0x2  }
0x233: {  	v4 =	vld [tilespmem:s20+$0x1675F];
	[tilespmem:s19+$0x4380] =	vst v6  }
0x234: {  	[tilespmem:s19+$0x4000] =	vst v1;
	v1 =	vld [tilespmem:s20+$0x1802F]  }
0x235: {  	[tilespmem:s19+$0x4080] =	vst v2;
	v2 =	vld [tilespmem:s20+$0x16F9F]  }
0x236: {  	[tilespmem:s19+$0x4100] =	vst v3;
	v3 =	vld [tilespmem:s20+$0x177DF]  }
0x237: {  	v6 =	vld [tilespmem:s20+$0x1466F];
	[tilespmem:s19+$0x4180] =	vst v5  }
0x238: {  	v5 =	vld [tilespmem:s20+$0x14EAF];
	[tilespmem:s19+$0x4200] =	vst v4  }
0x239: {  	v4 =	vld [tilespmem:s20+$0x156EF];
	[tilespmem:s19+$0x4390] =	vst v1  }
0x23a: {  	[tilespmem:s19+$0x4280] =	vst v2;
	v1 =	vld [tilespmem:s20+$0x1803F]  }
0x23b: {  	v2 =	vld [tilespmem:s20+$0x15F2F];
	[tilespmem:s19+$0x4300] =	vst v3  }
0x23c: {  	[tilespmem:s19+$0x4010] =	vst v6;
	v3 =	vld [tilespmem:s20+$0x1676F]  }
0x23d: {  	[tilespmem:s19+$0x4090] =	vst v5;
	v5 =	vld [tilespmem:s20+$0x16FAF]  }
0x23e: {  	[tilespmem:s19+$0x4110] =	vst v4;
	v4 =	vld [tilespmem:s20+$0x177EF]  }
0x23f: {  	v6 =	vld [tilespmem:s20+$0x1467F];
	[tilespmem:s19+$0x43A0] =	vst v1  }
0x240: {  	[tilespmem:s19+$0x4190] =	vst v2;
	v1 =	vld [tilespmem:s20+$0x1804F]  }
0x241: {  	v2 =	vld [tilespmem:s20+$0x14EBF];
	[tilespmem:s19+$0x4210] =	vst v3  }
0x242: {  	v3 =	vld [tilespmem:s20+$0x156FF];
	[tilespmem:s19+$0x4290] =	vst v5  }
0x243: {  	v5 =	vld [tilespmem:s20+$0x15F3F];
	[tilespmem:s19+$0x4310] =	vst v4  }
0x244: {  	[tilespmem:s19+$0x4020] =	vst v6;
	v4 =	vld [tilespmem:s20+$0x1677F]  }
0x245: {  	v6 =	vld [tilespmem:s20+$0x16FBF];
	[tilespmem:s19+$0x43B0] =	vst v1  }
0x246: {  	[tilespmem:s19+$0x40A0] =	vst v2;
	v1 =	vld [tilespmem:s20+$0x1805F]  }
0x247: {  	[tilespmem:s19+$0x4120] =	vst v3;
	v2 =	vld [tilespmem:s20+$0x177FF]  }
0x248: {  	v3 =	vld [tilespmem:s20+$0x1468F];
	[tilespmem:s19+$0x41A0] =	vst v5  }
0x249: {  	v5 =	vld [tilespmem:s20+$0x14ECF];
	[tilespmem:s19+$0x4220] =	vst v4  }
0x24a: {  	v4 =	vld [tilespmem:s20+$0x1570F];
	[tilespmem:s19+$0x42A0] =	vst v6  }
0x24b: {  	v6 =	vld [tilespmem:s20+$0x15F4F];
	[tilespmem:s19+$0x43C0] =	vst v1  }
0x24c: {  	[tilespmem:s19+$0x4320] =	vst v2;
	v1 =	vld [tilespmem:s20+$0x1806F]  }
0x24d: {  	[tilespmem:s19+$0x4030] =	vst v3;
	v2 =	vld [tilespmem:s20+$0x1678F]  }
0x24e: {  	[tilespmem:s19+$0x40B0] =	vst v5;
	v3 =	vld [tilespmem:s20+$0x16FCF]  }
0x24f: {  	[tilespmem:s19+$0x4130] =	vst v4;
	v4 =	vld [tilespmem:s20+$0x1780F]  }
0x250: {  	v5 =	vld [tilespmem:s20+$0x1469F];
	[tilespmem:s19+$0x41B0] =	vst v6  }
0x251: {  	v6 =	vld [tilespmem:s20+$0x14EDF];
	[tilespmem:s19+$0x43D0] =	vst v1  }
0x252: {  	[tilespmem:s19+$0x4230] =	vst v2;
	v1 =	vld [tilespmem:s20+$0x1807F]  }
0x253: {  	v2 =	vld [tilespmem:s20+$0x1571F];
	[tilespmem:s19+$0x42B0] =	vst v3  }
0x254: {  	v3 =	vld [tilespmem:s20+$0x15F5F];
	[tilespmem:s19+$0x4330] =	vst v4  }
0x255: {  	[tilespmem:s19+$0x4040] =	vst v5;
	v4 =	vld [tilespmem:s20+$0x1679F]  }
0x256: {  	[tilespmem:s19+$0x40C0] =	vst v6;
	v5 =	vld [tilespmem:s20+$0x16FDF]  }
0x257: {  	v6 =	vld [tilespmem:s20+$0x1781F];
	[tilespmem:s19+$0x43E0] =	vst v1  }
0x258: {  	[tilespmem:s19+$0x4140] =	vst v2;
	v1 =	vld [tilespmem:s20+$0x1808F]  }
0x259: {  	v2 =	vld [tilespmem:s20+$0x146AF];
	[tilespmem:s19+$0x41C0] =	vst v3  }
0x25a: {  	v3 =	vld [tilespmem:s20+$0x14EEF];
	[tilespmem:s19+$0x4240] =	vst v4  }
0x25b: {  	v4 =	vld [tilespmem:s20+$0x1572F];
	[tilespmem:s19+$0x42C0] =	vst v5  }
0x25c: {  	v5 =	vld [tilespmem:s20+$0x15F6F];
	[tilespmem:s19+$0x4340] =	vst v6  }
0x25d: {  	v6 =	vld [tilespmem:s20+$0x167AF];
	[tilespmem:s19+$0x43F0] =	vst v1  }
0x25e: {  	[tilespmem:s19+$0x4050] =	vst v2;
	v1 =	vld [tilespmem:s20+$0x16FEF]  }
0x25f: {  	[tilespmem:s19+$0x40D0] =	vst v3;
	v2 =	vld [tilespmem:s20+$0x1782F]  }
0x260: {  	v3 =	vld [tilespmem:s20+$0x146BF];
	[tilespmem:s19+$0x4150] =	vst v4  }
0x261: {  	v4 =	vld [tilespmem:s20+$0x14EFF];
	[tilespmem:s19+$0x41D0] =	vst v5  }
0x262: {  	v5 =	vld [tilespmem:s20+$0x1573F];
	[tilespmem:s19+$0x4250] =	vst v6  }
0x263: {  	v6 =	vld [tilespmem:s20+$0x15F7F];
	[tilespmem:s19+$0x42D0] =	vst v1  }
0x264: {  	v7 =	vld [tilespmem:s20+$0x167BF];
	[tilespmem:s19+$0x4350] =	vst v2  }
0x265: {  	[tilespmem:s19+$0x4060] =	vst v3;
	v3 =	vld [tilespmem:s20+$0x16FFF]  }
0x266: {  	[tilespmem:s19+$0x40E0] =	vst v4;
	v8 =	vld [tilespmem:s20+$0x1783F]  }
0x267: {  	v9 =	vld [tilespmem:s20+$0x146CF];
	[tilespmem:s19+$0x4160] =	vst v5  }
.Ltmp4:
0x268: {  	v4 =	vld [tilespmem:s20+$0x14F0F];
	[tilespmem:s19+$0x41E0] =	vst v6;
	(pc) =	sbr.rel @p0 .LBB2_11-.Ltmp4, $4  }
0x269: {  	v1 =	vld [tilespmem:s20+$0x1574F];
	[tilespmem:s19+$0x4260] =	vst v7  }
0x26a: {  	v2 =	vld [tilespmem:s20+$0x15F8F];
	[tilespmem:s19+$0x42E0] =	vst v3  }
0x26b: {  	v3 =	vld [tilespmem:s20+$0x167CF];
	[tilespmem:s19+$0x4360] =	vst v8  }
0x26c: {  	s22 =	sadd.s32 $0x200, s22;
	[tilespmem:s19+$0x4070] =	vst v9;
	v5 =	vld [tilespmem:s20+$0x1700F]  }
0x26d: {  	[tilespmem:s19+$0x40F0] =	vst v4;
	v63 =	vld [tilespmem:s20+$0x1784F];
	s16 =	sadd.s32 $0x1, s16  }
0x26e: {  	[tilespmem:s19+$0x4170] =	vst v1;
	p0 =	sne.s32 s16, $0x40  }
.Ltmp5:
0x26f: {  	[tilespmem:s19+$0x41F0] =	vst v2;
	(pc) =	sbr.rel @p0 .LBB2_4-.Ltmp5, $4  }
0x270: {  	[tilespmem:s19+$0x4270] =	vst v3  }
0x271: {  	[tilespmem:s19+$0x42F0] =	vst v5  }
0x272: {  	s0 =	sadd.s32 s17, s8;
	s15 =	sadd.s32 $0xFFFFFFFC, s15;
	[tilespmem:s19+$0x4370] =	vst v63  }
0x273: {  	[hbm4b:s0+s2] =	stream.linear.scatter [tilespmem:s11], [sflag:$0x2], $0x4000, $0x38;
	[tilespmem:$0x18880] =	vst v63  }
0x274: {  	s14 =	sadd.s32 $0x1, s14  }
0x275: {  	_ =	swait.ge [sflag:s12], $0x4000;
	p0 =	sne.s32 s14, s9  }
.Ltmp6:
0x276: {  	[sflag:s12] =	ssyncset.done $0x0;
	(pc) =	sbr.rel @p0 .LBB2_1-.Ltmp6, $4  }
0x277: {  	[sflag:s12] =	ssyncadd.s32 $0xFFFFC000  }
0x278: {  	_ =	swait.ge [sflag:s13], $0x4000  }
0x279: {  	[sflag:s13] =	ssyncset.done $0x0  }
0x27a: {  	[sflag:s13] =	ssyncadd.s32 $0xFFFFC000  }
0x27b: {  	_ =	sfence.sel $0x180000  }
0x27c: {  	[bflag:$0x0] =	sbarrier.arrive $0xFFFF  }
0x27d: {  	_ =	strace $0x90000047  }
0x27e: {  	s0 =	stileid.u32;
	[bflag:$0x2] =	sbarrier.arrive $0xFFFF  }
0x27f: {  	p0 =	sne.s32 s0, $0x0;
	s0 =	rddreg [dreg:$0x2]  }
0x280: {  	s0 =	sadd.s32 @!p0 $0x100000, s0  }
0x281: {  	[sflag:s0] =	ssyncadd.tile.s32 @!p0 $0x1;
	_ =	shalt  }
.Lfunc_end2:
_tile_overlayer_lowered:
.L_overlay_start_2:
0x282: {  	(tag) =	ssettag $0x2  }
0x283: {  	s0 =	rddreg [dreg:$0x0];
	s2 =	stileid.u32  }
0x284: {  	s1 =	rddreg [dreg:$0x1];
	p0 =	sne.s32 s2, $0x0  }
0x285: {  	s3 =	rddreg [dreg:$0x2];
	[bflag:$0x3] =	sbarrier.arrive $0xFFFF;
	s2 =	simm.s32 @!p0 $0x1C03  }
0x286: {  	[timem:s3], [sflag:s2] =	dma.local @!p0 [hbm:s0], s1  }
0x287: {  	s0 =	simm.s32 @!p0 $0x3  }
0x288: {  	_ =	swait.ge @!p0 [sflag:s0], s1  }
0x289: {  	s1 =	ssub.s32 @!p0 $0x0, s1;
	[sflag:s0] =	ssyncset.done @!p0 $0x0  }
0x28a: {  	[sflag:s0] =	ssyncadd.s32 @!p0 s1  }
0x28b: {  	[bflag:$0x3] =	sbarrier.arrive $0xFFFF  }
0x28c: {  	_ =	shalt  }

</sc_bundles>
